<compile_context>
chip_gen: v7x
topology: tpu7x:2x2x1
jax: 0.10.2.dev20260603
libtpu: 0.0.44.dev20260713+nightly
codegen_flags: <defaults>
</compile_context>

<pallas_src>
import jax
import jax.numpy as jnp
from jax import lax
from jax.experimental import pallas as pl
from jax.experimental.pallas import tpu as pltpu
from jax.experimental.pallas import tpu_sc as plsc

LOC_EMB_SIZE = 64
N_POI_CAT = 16
N_VALS = 11
BATCH = 1024
POINT = 100000
ALPHA = 0.9
L = 16
NC, NS = 2, 16
D_PER_TILE = LOC_EMB_SIZE // (NC * NS)
NGRP = BATCH // L


def _body(x_hbm, poi_t_hbm, w_hbm, loc_t_hbm, out_t_hbm,
          x_v, row_v, idx_v, w_v, e0_v, e1_v, out_rows_v,
          sem_a, sem_b, sem_w, gath_sh):
    c = lax.axis_index("c")
    s = lax.axis_index("s")
    d0 = (c * NS + s) * D_PER_TILE

    cp_x = pltpu.async_copy(x_hbm, x_v, sem_a)
    cp_w = pltpu.async_copy(w_hbm, w_v, sem_w)
    cp_poi = pltpu.async_copy(poi_t_hbm.at[s], row_v, sem_b)
    cp_x.wait()
    cp_poi.wait()

    def _phase_a(g, carry):
        xg = x_v[pl.ds(g * L, L)]
        val = plsc.load_gather(row_v, [xg])
        idx_v[s, pl.ds(g * L, L)] = val.astype(jnp.int32)
        return carry

    lax.fori_loop(0, NGRP, _phase_a, 0, unroll=4)
    pltpu.sync_copy(idx_v.at[s], gath_sh.at[s])

    cp_u0 = pltpu.async_copy(loc_t_hbm.at[d0], row_v, sem_a)

    plsc.subcore_barrier()
    pltpu.sync_copy(gath_sh, idx_v)

    cp_w.wait()
    lane = lax.iota(jnp.int32, L)
    vlane = jnp.minimum(lane, N_VALS - 1)
    e_vec0 = jnp.exp(plsc.load_gather(w_v, [vlane, jnp.broadcast_to(d0, (L,))]))
    e_vec1 = jnp.exp(plsc.load_gather(w_v, [vlane, jnp.broadcast_to(d0 + 1, (L,))]))
    e0_v[...] = e_vec0
    e1_v[...] = e_vec1

    def _lv_pass(dd):
        def _p(g, carry):
            xg = x_v[pl.ds(g * L, L)]
            lv = plsc.load_gather(row_v, [xg])
            out_rows_v[dd, pl.ds(g * L, L)] = lv * ALPHA
            return carry
        lax.fori_loop(0, NGRP, _p, 0, unroll=4)

    cp_u0.wait()
    _lv_pass(0)
    cp_u1 = pltpu.async_copy(loc_t_hbm.at[d0 + 1], row_v, sem_b)

    def _p_pass(g, carry):
        xg = x_v[pl.ds(g * L, L)]
        ik = idx_v[0, pl.ds(g * L, L)]
        ga0 = plsc.load_gather(e0_v, [ik])
        ga1 = plsc.load_gather(e1_v, [ik])
        den0, num0 = ga0, ga0 * ga0
        den1, num1 = ga1, ga1 * ga1
        for k in range(1, N_POI_CAT):
            ik = idx_v[k, pl.ds(g * L, L)]
            ga0 = plsc.load_gather(e0_v, [ik])
            ga1 = plsc.load_gather(e1_v, [ik])
            den0 = den0 + ga0
            num0 = num0 + ga0 * ga0
            den1 = den1 + ga1
            num1 = num1 + ga1 * ga1
        o = out_rows_v[0, pl.ds(g * L, L)]
        out_rows_v[0, pl.ds(g * L, L)] = o + (num0 / den0) * (1.0 - ALPHA)
        out_rows_v[1, pl.ds(g * L, L)] = (num1 / den1) * (1.0 - ALPHA)
        return carry

    lax.fori_loop(0, NGRP, _p_pass, 0, unroll=2)

    cp_u1.wait()

    def _lv_add_pass(g, carry):
        xg = x_v[pl.ds(g * L, L)]
        lv = plsc.load_gather(row_v, [xg])
        o = out_rows_v[1, pl.ds(g * L, L)]
        out_rows_v[1, pl.ds(g * L, L)] = o + lv * ALPHA
        return carry

    lax.fori_loop(0, NGRP, _lv_add_pass, 0, unroll=4)

    pltpu.sync_copy(out_rows_v, out_t_hbm.at[pl.ds(d0, D_PER_TILE)])


@jax.jit
def kernel(x, poi, emb_poi_weight, emb_loc_weight):
    run = pl.kernel(
        _body,
        out_type=jax.ShapeDtypeStruct((LOC_EMB_SIZE, BATCH), jnp.float32),
        mesh=plsc.VectorSubcoreMesh(core_axis_name="c", subcore_axis_name="s"),
        compiler_params=pltpu.CompilerParams(needs_layout_passes=False,
                                             use_tc_tiling_on_sc=True),
        scratch_types=[
            pltpu.VMEM((BATCH,), jnp.int32),
            pltpu.VMEM((POINT,), jnp.float32),
            pltpu.VMEM((N_POI_CAT, BATCH), jnp.int32),
            pltpu.VMEM((N_VALS, LOC_EMB_SIZE), jnp.float32),
            pltpu.VMEM((L,), jnp.float32),
            pltpu.VMEM((L,), jnp.float32),
            pltpu.VMEM((D_PER_TILE, BATCH), jnp.float32),
            pltpu.SemaphoreType.DMA,
            pltpu.SemaphoreType.DMA,
            pltpu.SemaphoreType.DMA,
            pltpu.VMEM_SHARED((N_POI_CAT, BATCH), jnp.int32),
        ],
    )
    out_t = run(x.astype(jnp.int32), poi.T, emb_poi_weight, emb_loc_weight.T)
    return out_t.T

# --- scband reference (transcript-rebuilt; emitter-appended) ---
"""Pipeline reference for scband-emb-loc-84696755077773 (READ-ONLY COPY).

The authoritative reference and input builder live on the scoring server;
editing this copy changes nothing except your own understanding.
"""

import jax, jax.numpy as jnp
import numpy as np

LOC_EMB_SIZE = 64
POINT_SIZE = 100000
N_POI_CAT = 16
BATCH = 1024
ALPHA = 0.9


def setup_inputs(seed: int = 0) -> dict:
    key = jax.random.key(seed)
    k1, k2, k3, k4 = jax.random.split(key, 4)
    # forward input: location ids
    x = jax.random.randint(k1, (BATCH,), 0, POINT_SIZE, dtype=jnp.int32)
    # self.poi : loaded from poi.npy in the original module. Values are used as
    # indices into an 11-row embedding after a long() cast, so they lie in [0, 11).
    poi = jax.random.randint(k2, (POINT_SIZE, N_POI_CAT), 0, 11).astype(jnp.float32)
    # learned parameters (nn.Embedding weights)
    emb_poi_weight = jax.random.normal(k3, (11, LOC_EMB_SIZE), dtype=jnp.float32) * 0.02
    emb_loc_weight = jax.random.normal(k4, (POINT_SIZE, LOC_EMB_SIZE), dtype=jnp.float32) * 0.02
    return {"x": x, "poi": poi, "emb_poi_weight": emb_poi_weight, "emb_loc_weight": emb_loc_weight}


def reference(x, poi, emb_poi_weight, emb_loc_weight):
    x = x.astype(jnp.int32)
    # torch: one_hot(x, point_size) @ poi  ==  row gather from poi (one-hot rows
    # select exactly one row), then cast to long for embedding lookup
    poi_idx = jnp.take(poi, x, axis=0).astype(jnp.int32)          # [B, K]
    # emb_poi(poi).permute(0, 2, 1) then exp
    e = jnp.exp(jnp.transpose(jnp.take(emb_poi_weight, poi_idx, axis=0), (0, 2, 1)))  # [B, D, K]
    poi_all = (1.0 / jnp.sum(e, axis=2)).reshape(-1, LOC_EMB_SIZE, 1)  # [B, D, 1]
    poi_w = e * poi_all
    p = jnp.sum(e * poi_w, axis=2)                                # [B, D]
    loc = jnp.take(emb_loc_weight, x, axis=0)                     # [B, D]
    emb = loc * ALPHA + p * (1.0 - ALPHA)
    return emb

if __name__ == "__main__":
    import jax
    _d = setup_inputs()
    print(jax.jit(kernel)(*tuple(_d.values())))

</pallas_src>

<mosaic_0001>
#map = affine_map<(d0, d1) -> (0)>
#map1 = affine_map<(d0, d1) -> (0, 0)>
module attributes {stable_mosaic.version = 14 : i64} {
  func.func @_body(%arg0: i32, %arg1: i32, %arg2: memref<1024xi32, #tpu.memory_space<hbm>>, %arg3: memref<16x100000xf32, #tpu.memory_space<hbm>>, %arg4: memref<11x64xf32, #tpu.memory_space<hbm>>, %arg5: memref<64x100000xf32, #tpu.memory_space<hbm>>, %arg6: memref<64x1024xf32, #tpu.memory_space<hbm>>, %arg7: memref<1024xi32, #tpu.memory_space<vmem>>, %arg8: memref<100000xf32, #tpu.memory_space<vmem>>, %arg9: memref<16x1024xi32, #tpu.memory_space<vmem>>, %arg10: memref<11x64xf32, #tpu.memory_space<vmem>>, %arg11: memref<16xf32, #tpu.memory_space<vmem>>, %arg12: memref<16xf32, #tpu.memory_space<vmem>>, %arg13: memref<2x1024xf32, #tpu.memory_space<vmem>>, %arg14: memref<!tpu.dma_semaphore, #tpu.memory_space<semaphore_mem>>, %arg15: memref<!tpu.dma_semaphore, #tpu.memory_space<semaphore_mem>>, %arg16: memref<!tpu.dma_semaphore, #tpu.memory_space<semaphore_mem>>, %arg17: memref<16x1024xi32, #tpu.memory_space<vmem_shared>>) attributes {dimension_semantics = [#tpu.dimension_semantics<core_parallel>, #tpu.dimension_semantics<subcore_parallel>], iteration_bounds = array<i64: 2, 16>, scalar_prefetch = 0 : i64, scratch_operands = 11 : i64, tpu.core_type = #tpu.core_type<sc_vector_subcore>, window_params = [{transform_indices = #map}, {transform_indices = #map1}, {transform_indices = #map1}, {transform_indices = #map1}, {transform_indices = #map1}]} {
    %mul3A = arith.constant 16 : i32
    %mul3A_0 = arith.muli %arg0, %mul3A : i32
    %add3A = arith.addi %mul3A_0, %arg1 : i32
    %mul3A_1 = arith.constant 2 : i32
    %mul3A_2 = arith.muli %add3A, %mul3A_1 : i32
    tpu.enqueue_dma source(%arg2 : memref<1024xi32, #tpu.memory_space<hbm>>) target(%arg7 : memref<1024xi32, #tpu.memory_space<vmem>>) target_semaphore(%arg14 : memref<!tpu.dma_semaphore, #tpu.memory_space<semaphore_mem>>)
    tpu.enqueue_dma source(%arg4 : memref<11x64xf32, #tpu.memory_space<hbm>>) target(%arg10 : memref<11x64xf32, #tpu.memory_space<vmem>>) target_semaphore(%arg16 : memref<!tpu.dma_semaphore, #tpu.memory_space<semaphore_mem>>)
    %dma_start3A = arith.constant 0 : i32
    %dma_start3A_3 = tpu.memref_slice %arg3[%arg1, %dma_start3A] : memref<16x100000xf32, #tpu.memory_space<hbm>> -> memref<1x100000xf32, #tpu.memory_space<hbm>>
    %dma_start3A_4 = tpu.memref_squeeze %dma_start3A_3 : memref<1x100000xf32, #tpu.memory_space<hbm>> -> memref<100000xf32, #tpu.memory_space<hbm>>
    %dma_start3A_5 = arith.constant 0 : i32
    %dma_start3A_6 = tpu.memref_slice %arg3[%arg1, %dma_start3A_5] : memref<16x100000xf32, #tpu.memory_space<hbm>> -> memref<1x100000xf32, #tpu.memory_space<hbm>>
    %dma_start3A_7 = tpu.memref_squeeze %dma_start3A_6 : memref<1x100000xf32, #tpu.memory_space<hbm>> -> memref<100000xf32, #tpu.memory_space<hbm>>
    tpu.enqueue_dma source(%dma_start3A_7 : memref<100000xf32, #tpu.memory_space<hbm>>) target(%arg8 : memref<100000xf32, #tpu.memory_space<vmem>>) target_semaphore(%arg15 : memref<!tpu.dma_semaphore, #tpu.memory_space<semaphore_mem>>)
    tpu.wait_dma2 semaphore(%arg14 : memref<!tpu.dma_semaphore, #tpu.memory_space<semaphore_mem>>) src(%arg2 : memref<1024xi32, #tpu.memory_space<hbm>>) dst(%arg7 : memref<1024xi32, #tpu.memory_space<vmem>>)
    %dma_wait3A = arith.constant 0 : i32
    %dma_wait3A_8 = tpu.memref_slice %arg3[%arg1, %dma_wait3A] : memref<16x100000xf32, #tpu.memory_space<hbm>> -> memref<1x100000xf32, #tpu.memory_space<hbm>>
    %dma_wait3A_9 = tpu.memref_squeeze %dma_wait3A_8 : memref<1x100000xf32, #tpu.memory_space<hbm>> -> memref<100000xf32, #tpu.memory_space<hbm>>
    %dma_wait3A_10 = arith.constant 0 : i32
    %dma_wait3A_11 = tpu.memref_slice %arg3[%arg1, %dma_wait3A_10] : memref<16x100000xf32, #tpu.memory_space<hbm>> -> memref<1x100000xf32, #tpu.memory_space<hbm>>
    %dma_wait3A_12 = tpu.memref_squeeze %dma_wait3A_11 : memref<1x100000xf32, #tpu.memory_space<hbm>> -> memref<100000xf32, #tpu.memory_space<hbm>>
    tpu.wait_dma2 semaphore(%arg15 : memref<!tpu.dma_semaphore, #tpu.memory_space<semaphore_mem>>) src(%dma_wait3A_12 : memref<100000xf32, #tpu.memory_space<hbm>>) dst(%arg8 : memref<100000xf32, #tpu.memory_space<vmem>>)
    %scan3A = arith.constant 0 : i32
    %scan3A_13 = arith.constant 0 : i32
    %scan3A_14 = arith.constant 64 : i32
    %scan3A_15 = arith.addi %scan3A_13, %scan3A_14 : i32
    %scan3A_16 = arith.constant 4 : i32
    scf.for %scan3A_72 = %scan3A_13 to %scan3A_15 step %scan3A_16  : i32 {
      %mul3A_73 = arith.constant 16 : i32
      %mul3A_74 = arith.muli %scan3A_72, %mul3A_73 : i32
      %get3A = arith.index_cast %mul3A_74 : i32 to index
      %get3A_75 = tpu.vector_load %arg7[%get3A] {strides = array<i32>} : memref<1024xi32, #tpu.memory_space<vmem>>, vector<16xi32>,
      %gather3A_76 = tpu.vector_load_idx %arg8[%get3A_75] : memref<100000xf32, #tpu.memory_space<vmem>>[vector<16xi32>], vector<16xf32>,
      %convert_element_type3A = arith.fptosi %gather3A_76 : vector<16xf32> to vector<16xi32>
      %mul3A_77 = arith.constant 16 : i32
      %mul3A_78 = arith.muli %scan3A_72, %mul3A_77 : i32
      %swap3A_79 = arith.index_cast %arg1 : i32 to index
      %swap3A_80 = arith.index_cast %mul3A_78 : i32 to index
      %swap3A_81 = tpu.vector_load %arg9[%swap3A_79, %swap3A_80] {strides = array<i32>} : memref<16x1024xi32, #tpu.memory_space<vmem>>, vector<16xi32>,
      tpu.vector_store %arg9[%swap3A_79, %swap3A_80], %convert_element_type3A {strides = array<i32>} : memref<16x1024xi32, #tpu.memory_space<vmem>>, vector<16xi32>,
      %scan3A_82 = arith.constant 1 : i32
      %scan3A_83 = arith.addi %scan3A_72, %scan3A_82 : i32
      %mul3A_84 = arith.constant 16 : i32
      %mul3A_85 = arith.muli %scan3A_83, %mul3A_84 : i32
      %get3A_86 = arith.index_cast %mul3A_85 : i32 to index
      %get3A_87 = tpu.vector_load %arg7[%get3A_86] {strides = array<i32>} : memref<1024xi32, #tpu.memory_space<vmem>>, vector<16xi32>,
      %gather3A_88 = tpu.vector_load_idx %arg8[%get3A_87] : memref<100000xf32, #tpu.memory_space<vmem>>[vector<16xi32>], vector<16xf32>,
      %convert_element_type3A_89 = arith.fptosi %gather3A_88 : vector<16xf32> to vector<16xi32>
      %mul3A_90 = arith.constant 16 : i32
      %mul3A_91 = arith.muli %scan3A_83, %mul3A_90 : i32
      %swap3A_92 = arith.index_cast %arg1 : i32 to index
      %swap3A_93 = arith.index_cast %mul3A_91 : i32 to index
      %swap3A_94 = tpu.vector_load %arg9[%swap3A_92, %swap3A_93] {strides = array<i32>} : memref<16x1024xi32, #tpu.memory_space<vmem>>, vector<16xi32>,
      tpu.vector_store %arg9[%swap3A_92, %swap3A_93], %convert_element_type3A_89 {strides = array<i32>} : memref<16x1024xi32, #tpu.memory_space<vmem>>, vector<16xi32>,
      %scan3A_95 = arith.constant 2 : i32
      %scan3A_96 = arith.addi %scan3A_72, %scan3A_95 : i32
      %mul3A_97 = arith.constant 16 : i32
      %mul3A_98 = arith.muli %scan3A_96, %mul3A_97 : i32
      %get3A_99 = arith.index_cast %mul3A_98 : i32 to index
      %get3A_100 = tpu.vector_load %arg7[%get3A_99] {strides = array<i32>} : memref<1024xi32, #tpu.memory_space<vmem>>, vector<16xi32>,
      %gather3A_101 = tpu.vector_load_idx %arg8[%get3A_100] : memref<100000xf32, #tpu.memory_space<vmem>>[vector<16xi32>], vector<16xf32>,
      %convert_element_type3A_102 = arith.fptosi %gather3A_101 : vector<16xf32> to vector<16xi32>
      %mul3A_103 = arith.constant 16 : i32
      %mul3A_104 = arith.muli %scan3A_96, %mul3A_103 : i32
      %swap3A_105 = arith.index_cast %arg1 : i32 to index
      %swap3A_106 = arith.index_cast %mul3A_104 : i32 to index
      %swap3A_107 = tpu.vector_load %arg9[%swap3A_105, %swap3A_106] {strides = array<i32>} : memref<16x1024xi32, #tpu.memory_space<vmem>>, vector<16xi32>,
      tpu.vector_store %arg9[%swap3A_105, %swap3A_106], %convert_element_type3A_102 {strides = array<i32>} : memref<16x1024xi32, #tpu.memory_space<vmem>>, vector<16xi32>,
      %scan3A_108 = arith.constant 3 : i32
      %scan3A_109 = arith.addi %scan3A_72, %scan3A_108 : i32
      %mul3A_110 = arith.constant 16 : i32
      %mul3A_111 = arith.muli %scan3A_109, %mul3A_110 : i32
      %get3A_112 = arith.index_cast %mul3A_111 : i32 to index
      %get3A_113 = tpu.vector_load %arg7[%get3A_112] {strides = array<i32>} : memref<1024xi32, #tpu.memory_space<vmem>>, vector<16xi32>,
      %gather3A_114 = tpu.vector_load_idx %arg8[%get3A_113] : memref<100000xf32, #tpu.memory_space<vmem>>[vector<16xi32>], vector<16xf32>,
      %convert_element_type3A_115 = arith.fptosi %gather3A_114 : vector<16xf32> to vector<16xi32>
      %mul3A_116 = arith.constant 16 : i32
      %mul3A_117 = arith.muli %scan3A_109, %mul3A_116 : i32
      %swap3A_118 = arith.index_cast %arg1 : i32 to index
      %swap3A_119 = arith.index_cast %mul3A_117 : i32 to index
      %swap3A_120 = tpu.vector_load %arg9[%swap3A_118, %swap3A_119] {strides = array<i32>} : memref<16x1024xi32, #tpu.memory_space<vmem>>, vector<16xi32>,
      tpu.vector_store %arg9[%swap3A_118, %swap3A_119], %convert_element_type3A_115 {strides = array<i32>} : memref<16x1024xi32, #tpu.memory_space<vmem>>, vector<16xi32>,
    }
    %scan3A_17 = arith.constant 64 : i32
    "tpu.region"() ({
      %run_scoped3A = tpu.sem_alloc : memref<!tpu.dma_semaphore, #tpu.memory_space<semaphore_mem>>
      %dma_start3A_72 = arith.constant 0 : i32
      %dma_start3A_73 = tpu.memref_slice %arg9[%arg1, %dma_start3A_72] : memref<16x1024xi32, #tpu.memory_space<vmem>> -> memref<1x1024xi32, #tpu.memory_space<vmem>>
      %dma_start3A_74 = tpu.memref_squeeze %dma_start3A_73 : memref<1x1024xi32, #tpu.memory_space<vmem>> -> memref<1024xi32, #tpu.memory_space<vmem>>
      %dma_start3A_75 = arith.constant 0 : i32
      %dma_start3A_76 = tpu.memref_slice %arg17[%arg1, %dma_start3A_75] : memref<16x1024xi32, #tpu.memory_space<vmem_shared>> -> memref<1x1024xi32, #tpu.memory_space<vmem_shared>>
      %dma_start3A_77 = tpu.memref_squeeze %dma_start3A_76 : memref<1x1024xi32, #tpu.memory_space<vmem_shared>> -> memref<1024xi32, #tpu.memory_space<vmem_shared>>
      %dma_start3A_78 = arith.constant 0 : i32
      %dma_start3A_79 = tpu.memref_slice %arg17[%arg1, %dma_start3A_78] : memref<16x1024xi32, #tpu.memory_space<vmem_shared>> -> memref<1x1024xi32, #tpu.memory_space<vmem_shared>>
      %dma_start3A_80 = tpu.memref_squeeze %dma_start3A_79 : memref<1x1024xi32, #tpu.memory_space<vmem_shared>> -> memref<1024xi32, #tpu.memory_space<vmem_shared>>
      %dma_start3A_81 = arith.constant 0 : i32
      %dma_start3A_82 = tpu.memref_slice %arg9[%arg1, %dma_start3A_81] : memref<16x1024xi32, #tpu.memory_space<vmem>> -> memref<1x1024xi32, #tpu.memory_space<vmem>>
      %dma_start3A_83 = tpu.memref_squeeze %dma_start3A_82 : memref<1x1024xi32, #tpu.memory_space<vmem>> -> memref<1024xi32, #tpu.memory_space<vmem>>
      tpu.enqueue_dma source(%dma_start3A_83 : memref<1024xi32, #tpu.memory_space<vmem>>) target(%dma_start3A_80 : memref<1024xi32, #tpu.memory_space<vmem_shared>>) target_semaphore(%run_scoped3A : memref<!tpu.dma_semaphore, #tpu.memory_space<semaphore_mem>>)
      %dma_wait3A_84 = arith.constant 0 : i32
      %dma_wait3A_85 = tpu.memref_slice %arg9[%arg1, %dma_wait3A_84] : memref<16x1024xi32, #tpu.memory_space<vmem>> -> memref<1x1024xi32, #tpu.memory_space<vmem>>
      %dma_wait3A_86 = tpu.memref_squeeze %dma_wait3A_85 : memref<1x1024xi32, #tpu.memory_space<vmem>> -> memref<1024xi32, #tpu.memory_space<vmem>>
      %dma_wait3A_87 = arith.constant 0 : i32
      %dma_wait3A_88 = tpu.memref_slice %arg17[%arg1, %dma_wait3A_87] : memref<16x1024xi32, #tpu.memory_space<vmem_shared>> -> memref<1x1024xi32, #tpu.memory_space<vmem_shared>>
      %dma_wait3A_89 = tpu.memref_squeeze %dma_wait3A_88 : memref<1x1024xi32, #tpu.memory_space<vmem_shared>> -> memref<1024xi32, #tpu.memory_space<vmem_shared>>
      %dma_wait3A_90 = arith.constant 0 : i32
      %dma_wait3A_91 = tpu.memref_slice %arg17[%arg1, %dma_wait3A_90] : memref<16x1024xi32, #tpu.memory_space<vmem_shared>> -> memref<1x1024xi32, #tpu.memory_space<vmem_shared>>
      %dma_wait3A_92 = tpu.memref_squeeze %dma_wait3A_91 : memref<1x1024xi32, #tpu.memory_space<vmem_shared>> -> memref<1024xi32, #tpu.memory_space<vmem_shared>>
      %dma_wait3A_93 = arith.constant 0 : i32
      %dma_wait3A_94 = tpu.memref_slice %arg9[%arg1, %dma_wait3A_93] : memref<16x1024xi32, #tpu.memory_space<vmem>> -> memref<1x1024xi32, #tpu.memory_space<vmem>>
      %dma_wait3A_95 = tpu.memref_squeeze %dma_wait3A_94 : memref<1x1024xi32, #tpu.memory_space<vmem>> -> memref<1024xi32, #tpu.memory_space<vmem>>
      tpu.wait_dma2 semaphore(%run_scoped3A : memref<!tpu.dma_semaphore, #tpu.memory_space<semaphore_mem>>) src(%dma_wait3A_95 : memref<1024xi32, #tpu.memory_space<vmem>>) dst(%dma_wait3A_92 : memref<1024xi32, #tpu.memory_space<vmem_shared>>)
      tpu.yield
    }) : () -> ()
    %dma_start3A_18 = arith.constant 0 : i32
    %dma_start3A_19 = tpu.memref_slice %arg5[%mul3A_2, %dma_start3A_18] : memref<64x100000xf32, #tpu.memory_space<hbm>> -> memref<1x100000xf32, #tpu.memory_space<hbm>>
    %dma_start3A_20 = tpu.memref_squeeze %dma_start3A_19 : memref<1x100000xf32, #tpu.memory_space<hbm>> -> memref<100000xf32, #tpu.memory_space<hbm>>
    %dma_start3A_21 = arith.constant 0 : i32
    %dma_start3A_22 = tpu.memref_slice %arg5[%mul3A_2, %dma_start3A_21] : memref<64x100000xf32, #tpu.memory_space<hbm>> -> memref<1x100000xf32, #tpu.memory_space<hbm>>
    %dma_start3A_23 = tpu.memref_squeeze %dma_start3A_22 : memref<1x100000xf32, #tpu.memory_space<hbm>> -> memref<100000xf32, #tpu.memory_space<hbm>>
    tpu.enqueue_dma source(%dma_start3A_23 : memref<100000xf32, #tpu.memory_space<hbm>>) target(%arg8 : memref<100000xf32, #tpu.memory_space<vmem>>) target_semaphore(%arg14 : memref<!tpu.dma_semaphore, #tpu.memory_space<semaphore_mem>>)
    %barrier3A = arith.constant 0 : index
    tpu.barrier barrier_id(%barrier3A)
    "tpu.region"() ({
      %run_scoped3A = tpu.sem_alloc : memref<!tpu.dma_semaphore, #tpu.memory_space<semaphore_mem>>
      tpu.enqueue_dma source(%arg17 : memref<16x1024xi32, #tpu.memory_space<vmem_shared>>) target(%arg9 : memref<16x1024xi32, #tpu.memory_space<vmem>>) target_semaphore(%run_scoped3A : memref<!tpu.dma_semaphore, #tpu.memory_space<semaphore_mem>>)
      tpu.wait_dma2 semaphore(%run_scoped3A : memref<!tpu.dma_semaphore, #tpu.memory_space<semaphore_mem>>) src(%arg17 : memref<16x1024xi32, #tpu.memory_space<vmem_shared>>) dst(%arg9 : memref<16x1024xi32, #tpu.memory_space<vmem>>)
      tpu.yield
    }) : () -> ()
    tpu.wait_dma2 semaphore(%arg16 : memref<!tpu.dma_semaphore, #tpu.memory_space<semaphore_mem>>) src(%arg4 : memref<11x64xf32, #tpu.memory_space<hbm>>) dst(%arg10 : memref<11x64xf32, #tpu.memory_space<vmem>>)
    %iota3A = tpu.iota {dimensions = array<i32: 0>} : vector<16xi32>
    %min3A = arith.constant 10 : i32
    %min3A_24 = vector.broadcast %min3A : i32 to vector<16xi32>
    %min3A_25 = arith.minsi %iota3A, %min3A_24 : vector<16xi32>
    %broadcast_in_dim3A = vector.broadcast %mul3A_2 : i32 to vector<16xi32>
    %gather3A = tpu.vector_load_idx %arg10[%min3A_25, %broadcast_in_dim3A] : memref<11x64xf32, #tpu.memory_space<vmem>>[vector<16xi32>, vector<16xi32>], vector<16xf32>,
    %exp3A = math.exp %gather3A : vector<16xf32>
    %add3A_26 = arith.constant 1 : i32
    %add3A_27 = arith.addi %mul3A_2, %add3A_26 : i32
    %broadcast_in_dim3A_28 = vector.broadcast %add3A_27 : i32 to vector<16xi32>
    %gather3A_29 = tpu.vector_load_idx %arg10[%min3A_25, %broadcast_in_dim3A_28] : memref<11x64xf32, #tpu.memory_space<vmem>>[vector<16xi32>, vector<16xi32>], vector<16xf32>,
    %exp3A_30 = math.exp %gather3A_29 : vector<16xf32>
    %swap3A = arith.constant 0 : index
    %swap3A_31 = tpu.vector_load %arg11[%swap3A] {strides = array<i32>} : memref<16xf32, #tpu.memory_space<vmem>>, vector<16xf32>,
    tpu.vector_store %arg11[%swap3A], %exp3A {strides = array<i32>} : memref<16xf32, #tpu.memory_space<vmem>>, vector<16xf32>,
    %swap3A_32 = arith.constant 0 : index
    %swap3A_33 = tpu.vector_load %arg12[%swap3A_32] {strides = array<i32>} : memref<16xf32, #tpu.memory_space<vmem>>, vector<16xf32>,
    tpu.vector_store %arg12[%swap3A_32], %exp3A_30 {strides = array<i32>} : memref<16xf32, #tpu.memory_space<vmem>>, vector<16xf32>,
    %dma_wait3A_34 = arith.constant 0 : i32
    %dma_wait3A_35 = tpu.memref_slice %arg5[%mul3A_2, %dma_wait3A_34] : memref<64x100000xf32, #tpu.memory_space<hbm>> -> memref<1x100000xf32, #tpu.memory_space<hbm>>
    %dma_wait3A_36 = tpu.memref_squeeze %dma_wait3A_35 : memref<1x100000xf32, #tpu.memory_space<hbm>> -> memref<100000xf32, #tpu.memory_space<hbm>>
    %dma_wait3A_37 = arith.constant 0 : i32
    %dma_wait3A_38 = tpu.memref_slice %arg5[%mul3A_2, %dma_wait3A_37] : memref<64x100000xf32, #tpu.memory_space<hbm>> -> memref<1x100000xf32, #tpu.memory_space<hbm>>
    %dma_wait3A_39 = tpu.memref_squeeze %dma_wait3A_38 : memref<1x100000xf32, #tpu.memory_space<hbm>> -> memref<100000xf32, #tpu.memory_space<hbm>>
    tpu.wait_dma2 semaphore(%arg14 : memref<!tpu.dma_semaphore, #tpu.memory_space<semaphore_mem>>) src(%dma_wait3A_39 : memref<100000xf32, #tpu.memory_space<hbm>>) dst(%arg8 : memref<100000xf32, #tpu.memory_space<vmem>>)
    %scan3A_40 = arith.constant 0 : i32
    %scan3A_41 = arith.constant 0 : i32
    %scan3A_42 = arith.constant 64 : i32
    %scan3A_43 = arith.addi %scan3A_41, %scan3A_42 : i32
    %scan3A_44 = arith.constant 4 : i32
    scf.for %scan3A_72 = %scan3A_41 to %scan3A_43 step %scan3A_44  : i32 {
      %mul3A_73 = arith.constant 16 : i32
      %mul3A_74 = arith.muli %scan3A_72, %mul3A_73 : i32
      %get3A = arith.index_cast %mul3A_74 : i32 to index
      %get3A_75 = tpu.vector_load %arg7[%get3A] {strides = array<i32>} : memref<1024xi32, #tpu.memory_space<vmem>>, vector<16xi32>,
      %gather3A_76 = tpu.vector_load_idx %arg8[%get3A_75] : memref<100000xf32, #tpu.memory_space<vmem>>[vector<16xi32>], vector<16xf32>,
      %mul3A_77 = arith.constant 0.899999976 : f32
      %mul3A_78 = vector.broadcast %mul3A_77 : f32 to vector<16xf32>
      %mul3A_79 = arith.mulf %gather3A_76, %mul3A_78 : vector<16xf32>
      %mul3A_80 = arith.constant 16 : i32
      %mul3A_81 = arith.muli %scan3A_72, %mul3A_80 : i32
      %swap3A_82 = arith.constant 0 : i32
      %swap3A_83 = arith.index_cast %swap3A_82 : i32 to index
      %swap3A_84 = arith.index_cast %mul3A_81 : i32 to index
      %swap3A_85 = tpu.vector_load %arg13[%swap3A_83, %swap3A_84] {strides = array<i32>} : memref<2x1024xf32, #tpu.memory_space<vmem>>, vector<16xf32>,
      tpu.vector_store %arg13[%swap3A_83, %swap3A_84], %mul3A_79 {strides = array<i32>} : memref<2x1024xf32, #tpu.memory_space<vmem>>, vector<16xf32>,
      %scan3A_86 = arith.constant 1 : i32
      %scan3A_87 = arith.addi %scan3A_72, %scan3A_86 : i32
      %mul3A_88 = arith.constant 16 : i32
      %mul3A_89 = arith.muli %scan3A_87, %mul3A_88 : i32
      %get3A_90 = arith.index_cast %mul3A_89 : i32 to index
      %get3A_91 = tpu.vector_load %arg7[%get3A_90] {strides = array<i32>} : memref<1024xi32, #tpu.memory_space<vmem>>, vector<16xi32>,
      %gather3A_92 = tpu.vector_load_idx %arg8[%get3A_91] : memref<100000xf32, #tpu.memory_space<vmem>>[vector<16xi32>], vector<16xf32>,
      %mul3A_93 = arith.constant 0.899999976 : f32
      %mul3A_94 = vector.broadcast %mul3A_93 : f32 to vector<16xf32>
      %mul3A_95 = arith.mulf %gather3A_92, %mul3A_94 : vector<16xf32>
      %mul3A_96 = arith.constant 16 : i32
      %mul3A_97 = arith.muli %scan3A_87, %mul3A_96 : i32
      %swap3A_98 = arith.constant 0 : i32
      %swap3A_99 = arith.index_cast %swap3A_98 : i32 to index
      %swap3A_100 = arith.index_cast %mul3A_97 : i32 to index
      %swap3A_101 = tpu.vector_load %arg13[%swap3A_99, %swap3A_100] {strides = array<i32>} : memref<2x1024xf32, #tpu.memory_space<vmem>>, vector<16xf32>,
      tpu.vector_store %arg13[%swap3A_99, %swap3A_100], %mul3A_95 {strides = array<i32>} : memref<2x1024xf32, #tpu.memory_space<vmem>>, vector<16xf32>,
      %scan3A_102 = arith.constant 2 : i32
      %scan3A_103 = arith.addi %scan3A_72, %scan3A_102 : i32
      %mul3A_104 = arith.constant 16 : i32
      %mul3A_105 = arith.muli %scan3A_103, %mul3A_104 : i32
      %get3A_106 = arith.index_cast %mul3A_105 : i32 to index
      %get3A_107 = tpu.vector_load %arg7[%get3A_106] {strides = array<i32>} : memref<1024xi32, #tpu.memory_space<vmem>>, vector<16xi32>,
      %gather3A_108 = tpu.vector_load_idx %arg8[%get3A_107] : memref<100000xf32, #tpu.memory_space<vmem>>[vector<16xi32>], vector<16xf32>,
      %mul3A_109 = arith.constant 0.899999976 : f32
      %mul3A_110 = vector.broadcast %mul3A_109 : f32 to vector<16xf32>
      %mul3A_111 = arith.mulf %gather3A_108, %mul3A_110 : vector<16xf32>
      %mul3A_112 = arith.constant 16 : i32
      %mul3A_113 = arith.muli %scan3A_103, %mul3A_112 : i32
      %swap3A_114 = arith.constant 0 : i32
      %swap3A_115 = arith.index_cast %swap3A_114 : i32 to index
      %swap3A_116 = arith.index_cast %mul3A_113 : i32 to index
      %swap3A_117 = tpu.vector_load %arg13[%swap3A_115, %swap3A_116] {strides = array<i32>} : memref<2x1024xf32, #tpu.memory_space<vmem>>, vector<16xf32>,
      tpu.vector_store %arg13[%swap3A_115, %swap3A_116], %mul3A_111 {strides = array<i32>} : memref<2x1024xf32, #tpu.memory_space<vmem>>, vector<16xf32>,
      %scan3A_118 = arith.constant 3 : i32
      %scan3A_119 = arith.addi %scan3A_72, %scan3A_118 : i32
      %mul3A_120 = arith.constant 16 : i32
      %mul3A_121 = arith.muli %scan3A_119, %mul3A_120 : i32
      %get3A_122 = arith.index_cast %mul3A_121 : i32 to index
      %get3A_123 = tpu.vector_load %arg7[%get3A_122] {strides = array<i32>} : memref<1024xi32, #tpu.memory_space<vmem>>, vector<16xi32>,
      %gather3A_124 = tpu.vector_load_idx %arg8[%get3A_123] : memref<100000xf32, #tpu.memory_space<vmem>>[vector<16xi32>], vector<16xf32>,
      %mul3A_125 = arith.constant 0.899999976 : f32
      %mul3A_126 = vector.broadcast %mul3A_125 : f32 to vector<16xf32>
      %mul3A_127 = arith.mulf %gather3A_124, %mul3A_126 : vector<16xf32>
      %mul3A_128 = arith.constant 16 : i32
      %mul3A_129 = arith.muli %scan3A_119, %mul3A_128 : i32
      %swap3A_130 = arith.constant 0 : i32
      %swap3A_131 = arith.index_cast %swap3A_130 : i32 to index
      %swap3A_132 = arith.index_cast %mul3A_129 : i32 to index
      %swap3A_133 = tpu.vector_load %arg13[%swap3A_131, %swap3A_132] {strides = array<i32>} : memref<2x1024xf32, #tpu.memory_space<vmem>>, vector<16xf32>,
      tpu.vector_store %arg13[%swap3A_131, %swap3A_132], %mul3A_127 {strides = array<i32>} : memref<2x1024xf32, #tpu.memory_space<vmem>>, vector<16xf32>,
    }
    %scan3A_45 = arith.constant 64 : i32
    %add3A_46 = arith.constant 1 : i32
    %add3A_47 = arith.addi %mul3A_2, %add3A_46 : i32
    %dma_start3A_48 = arith.constant 0 : i32
    %dma_start3A_49 = tpu.memref_slice %arg5[%add3A_47, %dma_start3A_48] : memref<64x100000xf32, #tpu.memory_space<hbm>> -> memref<1x100000xf32, #tpu.memory_space<hbm>>
    %dma_start3A_50 = tpu.memref_squeeze %dma_start3A_49 : memref<1x100000xf32, #tpu.memory_space<hbm>> -> memref<100000xf32, #tpu.memory_space<hbm>>
    %dma_start3A_51 = arith.constant 0 : i32
    %dma_start3A_52 = tpu.memref_slice %arg5[%add3A_47, %dma_start3A_51] : memref<64x100000xf32, #tpu.memory_space<hbm>> -> memref<1x100000xf32, #tpu.memory_space<hbm>>
    %dma_start3A_53 = tpu.memref_squeeze %dma_start3A_52 : memref<1x100000xf32, #tpu.memory_space<hbm>> -> memref<100000xf32, #tpu.memory_space<hbm>>
    tpu.enqueue_dma source(%dma_start3A_53 : memref<100000xf32, #tpu.memory_space<hbm>>) target(%arg8 : memref<100000xf32, #tpu.memory_space<vmem>>) target_semaphore(%arg15 : memref<!tpu.dma_semaphore, #tpu.memory_space<semaphore_mem>>)
    %scan3A_54 = arith.constant 0 : i32
    %scan3A_55 = arith.constant 0 : i32
    %scan3A_56 = arith.constant 64 : i32
    %scan3A_57 = arith.addi %scan3A_55, %scan3A_56 : i32
    %scan3A_58 = arith.constant 2 : i32
    scf.for %scan3A_72 = %scan3A_55 to %scan3A_57 step %scan3A_58  : i32 {
      %mul3A_73 = arith.constant 16 : i32
      %mul3A_74 = arith.muli %scan3A_72, %mul3A_73 : i32
      %get3A = arith.index_cast %mul3A_74 : i32 to index
      %get3A_75 = tpu.vector_load %arg7[%get3A] {strides = array<i32>} : memref<1024xi32, #tpu.memory_space<vmem>>, vector<16xi32>,
      %mul3A_76 = arith.constant 16 : i32
      %mul3A_77 = arith.muli %scan3A_72, %mul3A_76 : i32
      %get3A_78 = arith.constant 0 : i32
      %get3A_79 = arith.index_cast %get3A_78 : i32 to index
      %get3A_80 = arith.index_cast %mul3A_77 : i32 to index
      %get3A_81 = tpu.vector_load %arg9[%get3A_79, %get3A_80] {strides = array<i32>} : memref<16x1024xi32, #tpu.memory_space<vmem>>, vector<16xi32>,
      %gather3A_82 = tpu.vector_load_idx %arg11[%get3A_81] : memref<16xf32, #tpu.memory_space<vmem>>[vector<16xi32>], vector<16xf32>,
      %gather3A_83 = tpu.vector_load_idx %arg12[%get3A_81] : memref<16xf32, #tpu.memory_space<vmem>>[vector<16xi32>], vector<16xf32>,
      %mul3A_84 = arith.mulf %gather3A_82, %gather3A_82 : vector<16xf32>
      %mul3A_85 = arith.mulf %gather3A_83, %gather3A_83 : vector<16xf32>
      %mul3A_86 = arith.constant 16 : i32
      %mul3A_87 = arith.muli %scan3A_72, %mul3A_86 : i32
      %get3A_88 = arith.constant 1 : i32
      %get3A_89 = arith.index_cast %get3A_88 : i32 to index
      %get3A_90 = arith.index_cast %mul3A_87 : i32 to index
      %get3A_91 = tpu.vector_load %arg9[%get3A_89, %get3A_90] {strides = array<i32>} : memref<16x1024xi32, #tpu.memory_space<vmem>>, vector<16xi32>,
      %gather3A_92 = tpu.vector_load_idx %arg11[%get3A_91] : memref<16xf32, #tpu.memory_space<vmem>>[vector<16xi32>], vector<16xf32>,
      %gather3A_93 = tpu.vector_load_idx %arg12[%get3A_91] : memref<16xf32, #tpu.memory_space<vmem>>[vector<16xi32>], vector<16xf32>,
      %add3A_94 = arith.addf %gather3A_82, %gather3A_92 : vector<16xf32>
      %mul3A_95 = arith.mulf %gather3A_92, %gather3A_92 : vector<16xf32>
      %add3A_96 = arith.addf %mul3A_84, %mul3A_95 : vector<16xf32>
      %add3A_97 = arith.addf %gather3A_83, %gather3A_93 : vector<16xf32>
      %mul3A_98 = arith.mulf %gather3A_93, %gather3A_93 : vector<16xf32>
      %add3A_99 = arith.addf %mul3A_85, %mul3A_98 : vector<16xf32>
      %mul3A_100 = arith.constant 16 : i32
      %mul3A_101 = arith.muli %scan3A_72, %mul3A_100 : i32
      %get3A_102 = arith.constant 2 : i32
      %get3A_103 = arith.index_cast %get3A_102 : i32 to index
      %get3A_104 = arith.index_cast %mul3A_101 : i32 to index
      %get3A_105 = tpu.vector_load %arg9[%get3A_103, %get3A_104] {strides = array<i32>} : memref<16x1024xi32, #tpu.memory_space<vmem>>, vector<16xi32>,
      %gather3A_106 = tpu.vector_load_idx %arg11[%get3A_105] : memref<16xf32, #tpu.memory_space<vmem>>[vector<16xi32>], vector<16xf32>,
      %gather3A_107 = tpu.vector_load_idx %arg12[%get3A_105] : memref<16xf32, #tpu.memory_space<vmem>>[vector<16xi32>], vector<16xf32>,
      %add3A_108 = arith.addf %add3A_94, %gather3A_106 : vector<16xf32>
      %mul3A_109 = arith.mulf %gather3A_106, %gather3A_106 : vector<16xf32>
      %add3A_110 = arith.addf %add3A_96, %mul3A_109 : vector<16xf32>
      %add3A_111 = arith.addf %add3A_97, %gather3A_107 : vector<16xf32>
      %mul3A_112 = arith.mulf %gather3A_107, %gather3A_107 : vector<16xf32>
      %add3A_113 = arith.addf %add3A_99, %mul3A_112 : vector<16xf32>
      %mul3A_114 = arith.constant 16 : i32
      %mul3A_115 = arith.muli %scan3A_72, %mul3A_114 : i32
      %get3A_116 = arith.constant 3 : i32
      %get3A_117 = arith.index_cast %get3A_116 : i32 to index
      %get3A_118 = arith.index_cast %mul3A_115 : i32 to index
      %get3A_119 = tpu.vector_load %arg9[%get3A_117, %get3A_118] {strides = array<i32>} : memref<16x1024xi32, #tpu.memory_space<vmem>>, vector<16xi32>,
      %gather3A_120 = tpu.vector_load_idx %arg11[%get3A_119] : memref<16xf32, #tpu.memory_space<vmem>>[vector<16xi32>], vector<16xf32>,
      %gather3A_121 = tpu.vector_load_idx %arg12[%get3A_119] : memref<16xf32, #tpu.memory_space<vmem>>[vector<16xi32>], vector<16xf32>,
      %add3A_122 = arith.addf %add3A_108, %gather3A_120 : vector<16xf32>
      %mul3A_123 = arith.mulf %gather3A_120, %gather3A_120 : vector<16xf32>
      %add3A_124 = arith.addf %add3A_110, %mul3A_123 : vector<16xf32>
      %add3A_125 = arith.addf %add3A_111, %gather3A_121 : vector<16xf32>
      %mul3A_126 = arith.mulf %gather3A_121, %gather3A_121 : vector<16xf32>
      %add3A_127 = arith.addf %add3A_113, %mul3A_126 : vector<16xf32>
      %mul3A_128 = arith.constant 16 : i32
      %mul3A_129 = arith.muli %scan3A_72, %mul3A_128 : i32
      %get3A_130 = arith.constant 4 : i32
      %get3A_131 = arith.index_cast %get3A_130 : i32 to index
      %get3A_132 = arith.index_cast %mul3A_129 : i32 to index
      %get3A_133 = tpu.vector_load %arg9[%get3A_131, %get3A_132] {strides = array<i32>} : memref<16x1024xi32, #tpu.memory_space<vmem>>, vector<16xi32>,
      %gather3A_134 = tpu.vector_load_idx %arg11[%get3A_133] : memref<16xf32, #tpu.memory_space<vmem>>[vector<16xi32>], vector<16xf32>,
      %gather3A_135 = tpu.vector_load_idx %arg12[%get3A_133] : memref<16xf32, #tpu.memory_space<vmem>>[vector<16xi32>], vector<16xf32>,
      %add3A_136 = arith.addf %add3A_122, %gather3A_134 : vector<16xf32>
      %mul3A_137 = arith.mulf %gather3A_134, %gather3A_134 : vector<16xf32>
      %add3A_138 = arith.addf %add3A_124, %mul3A_137 : vector<16xf32>
      %add3A_139 = arith.addf %add3A_125, %gather3A_135 : vector<16xf32>
      %mul3A_140 = arith.mulf %gather3A_135, %gather3A_135 : vector<16xf32>
      %add3A_141 = arith.addf %add3A_127, %mul3A_140 : vector<16xf32>
      %mul3A_142 = arith.constant 16 : i32
      %mul3A_143 = arith.muli %scan3A_72, %mul3A_142 : i32
      %get3A_144 = arith.constant 5 : i32
      %get3A_145 = arith.index_cast %get3A_144 : i32 to index
      %get3A_146 = arith.index_cast %mul3A_143 : i32 to index
      %get3A_147 = tpu.vector_load %arg9[%get3A_145, %get3A_146] {strides = array<i32>} : memref<16x1024xi32, #tpu.memory_space<vmem>>, vector<16xi32>,
      %gather3A_148 = tpu.vector_load_idx %arg11[%get3A_147] : memref<16xf32, #tpu.memory_space<vmem>>[vector<16xi32>], vector<16xf32>,
      %gather3A_149 = tpu.vector_load_idx %arg12[%get3A_147] : memref<16xf32, #tpu.memory_space<vmem>>[vector<16xi32>], vector<16xf32>,
      %add3A_150 = arith.addf %add3A_136, %gather3A_148 : vector<16xf32>
      %mul3A_151 = arith.mulf %gather3A_148, %gather3A_148 : vector<16xf32>
      %add3A_152 = arith.addf %add3A_138, %mul3A_151 : vector<16xf32>
      %add3A_153 = arith.addf %add3A_139, %gather3A_149 : vector<16xf32>
      %mul3A_154 = arith.mulf %gather3A_149, %gather3A_149 : vector<16xf32>
      %add3A_155 = arith.addf %add3A_141, %mul3A_154 : vector<16xf32>
      %mul3A_156 = arith.constant 16 : i32
      %mul3A_157 = arith.muli %scan3A_72, %mul3A_156 : i32
      %get3A_158 = arith.constant 6 : i32
      %get3A_159 = arith.index_cast %get3A_158 : i32 to index
      %get3A_160 = arith.index_cast %mul3A_157 : i32 to index
      %get3A_161 = tpu.vector_load %arg9[%get3A_159, %get3A_160] {strides = array<i32>} : memref<16x1024xi32, #tpu.memory_space<vmem>>, vector<16xi32>,
      %gather3A_162 = tpu.vector_load_idx %arg11[%get3A_161] : memref<16xf32, #tpu.memory_space<vmem>>[vector<16xi32>], vector<16xf32>,
      %gather3A_163 = tpu.vector_load_idx %arg12[%get3A_161] : memref<16xf32, #tpu.memory_space<vmem>>[vector<16xi32>], vector<16xf32>,
      %add3A_164 = arith.addf %add3A_150, %gather3A_162 : vector<16xf32>
      %mul3A_165 = arith.mulf %gather3A_162, %gather3A_162 : vector<16xf32>
      %add3A_166 = arith.addf %add3A_152, %mul3A_165 : vector<16xf32>
      %add3A_167 = arith.addf %add3A_153, %gather3A_163 : vector<16xf32>
      %mul3A_168 = arith.mulf %gather3A_163, %gather3A_163 : vector<16xf32>
      %add3A_169 = arith.addf %add3A_155, %mul3A_168 : vector<16xf32>
      %mul3A_170 = arith.constant 16 : i32
      %mul3A_171 = arith.muli %scan3A_72, %mul3A_170 : i32
      %get3A_172 = arith.constant 7 : i32
      %get3A_173 = arith.index_cast %get3A_172 : i32 to index
      %get3A_174 = arith.index_cast %mul3A_171 : i32 to index
      %get3A_175 = tpu.vector_load %arg9[%get3A_173, %get3A_174] {strides = array<i32>} : memref<16x1024xi32, #tpu.memory_space<vmem>>, vector<16xi32>,
      %gather3A_176 = tpu.vector_load_idx %arg11[%get3A_175] : memref<16xf32, #tpu.memory_space<vmem>>[vector<16xi32>], vector<16xf32>,
      %gather3A_177 = tpu.vector_load_idx %arg12[%get3A_175] : memref<16xf32, #tpu.memory_space<vmem>>[vector<16xi32>], vector<16xf32>,
      %add3A_178 = arith.addf %add3A_164, %gather3A_176 : vector<16xf32>
      %mul3A_179 = arith.mulf %gather3A_176, %gather3A_176 : vector<16xf32>
      %add3A_180 = arith.addf %add3A_166, %mul3A_179 : vector<16xf32>
      %add3A_181 = arith.addf %add3A_167, %gather3A_177 : vector<16xf32>
      %mul3A_182 = arith.mulf %gather3A_177, %gather3A_177 : vector<16xf32>
      %add3A_183 = arith.addf %add3A_169, %mul3A_182 : vector<16xf32>
      %mul3A_184 = arith.constant 16 : i32
      %mul3A_185 = arith.muli %scan3A_72, %mul3A_184 : i32
      %get3A_186 = arith.constant 8 : i32
      %get3A_187 = arith.index_cast %get3A_186 : i32 to index
      %get3A_188 = arith.index_cast %mul3A_185 : i32 to index
      %get3A_189 = tpu.vector_load %arg9[%get3A_187, %get3A_188] {strides = array<i32>} : memref<16x1024xi32, #tpu.memory_space<vmem>>, vector<16xi32>,
      %gather3A_190 = tpu.vector_load_idx %arg11[%get3A_189] : memref<16xf32, #tpu.memory_space<vmem>>[vector<16xi32>], vector<16xf32>,
      %gather3A_191 = tpu.vector_load_idx %arg12[%get3A_189] : memref<16xf32, #tpu.memory_space<vmem>>[vector<16xi32>], vector<16xf32>,
      %add3A_192 = arith.addf %add3A_178, %gather3A_190 : vector<16xf32>
      %mul3A_193 = arith.mulf %gather3A_190, %gather3A_190 : vector<16xf32>
      %add3A_194 = arith.addf %add3A_180, %mul3A_193 : vector<16xf32>
      %add3A_195 = arith.addf %add3A_181, %gather3A_191 : vector<16xf32>
      %mul3A_196 = arith.mulf %gather3A_191, %gather3A_191 : vector<16xf32>
      %add3A_197 = arith.addf %add3A_183, %mul3A_196 : vector<16xf32>
      %mul3A_198 = arith.constant 16 : i32
      %mul3A_199 = arith.muli %scan3A_72, %mul3A_198 : i32
      %get3A_200 = arith.constant 9 : i32
      %get3A_201 = arith.index_cast %get3A_200 : i32 to index
      %get3A_202 = arith.index_cast %mul3A_199 : i32 to index
      %get3A_203 = tpu.vector_load %arg9[%get3A_201, %get3A_202] {strides = array<i32>} : memref<16x1024xi32, #tpu.memory_space<vmem>>, vector<16xi32>,
      %gather3A_204 = tpu.vector_load_idx %arg11[%get3A_203] : memref<16xf32, #tpu.memory_space<vmem>>[vector<16xi32>], vector<16xf32>,
      %gather3A_205 = tpu.vector_load_idx %arg12[%get3A_203] : memref<16xf32, #tpu.memory_space<vmem>>[vector<16xi32>], vector<16xf32>,
      %add3A_206 = arith.addf %add3A_192, %gather3A_204 : vector<16xf32>
      %mul3A_207 = arith.mulf %gather3A_204, %gather3A_204 : vector<16xf32>
      %add3A_208 = arith.addf %add3A_194, %mul3A_207 : vector<16xf32>
      %add3A_209 = arith.addf %add3A_195, %gather3A_205 : vector<16xf32>
      %mul3A_210 = arith.mulf %gather3A_205, %gather3A_205 : vector<16xf32>
      %add3A_211 = arith.addf %add3A_197, %mul3A_210 : vector<16xf32>
      %mul3A_212 = arith.constant 16 : i32
      %mul3A_213 = arith.muli %scan3A_72, %mul3A_212 : i32
      %get3A_214 = arith.constant 10 : i32
      %get3A_215 = arith.index_cast %get3A_214 : i32 to index
      %get3A_216 = arith.index_cast %mul3A_213 : i32 to index
      %get3A_217 = tpu.vector_load %arg9[%get3A_215, %get3A_216] {strides = array<i32>} : memref<16x1024xi32, #tpu.memory_space<vmem>>, vector<16xi32>,
      %gather3A_218 = tpu.vector_load_idx %arg11[%get3A_217] : memref<16xf32, #tpu.memory_space<vmem>>[vector<16xi32>], vector<16xf32>,
      %gather3A_219 = tpu.vector_load_idx %arg12[%get3A_217] : memref<16xf32, #tpu.memory_space<vmem>>[vector<16xi32>], vector<16xf32>,
      %add3A_220 = arith.addf %add3A_206, %gather3A_218 : vector<16xf32>
      %mul3A_221 = arith.mulf %gather3A_218, %gather3A_218 : vector<16xf32>
      %add3A_222 = arith.addf %add3A_208, %mul3A_221 : vector<16xf32>
      %add3A_223 = arith.addf %add3A_209, %gather3A_219 : vector<16xf32>
      %mul3A_224 = arith.mulf %gather3A_219, %gather3A_219 : vector<16xf32>
      %add3A_225 = arith.addf %add3A_211, %mul3A_224 : vector<16xf32>
      %mul3A_226 = arith.constant 16 : i32
      %mul3A_227 = arith.muli %scan3A_72, %mul3A_226 : i32
      %get3A_228 = arith.constant 11 : i32
      %get3A_229 = arith.index_cast %get3A_228 : i32 to index
      %get3A_230 = arith.index_cast %mul3A_227 : i32 to index
      %get3A_231 = tpu.vector_load %arg9[%get3A_229, %get3A_230] {strides = array<i32>} : memref<16x1024xi32, #tpu.memory_space<vmem>>, vector<16xi32>,
      %gather3A_232 = tpu.vector_load_idx %arg11[%get3A_231] : memref<16xf32, #tpu.memory_space<vmem>>[vector<16xi32>], vector<16xf32>,
      %gather3A_233 = tpu.vector_load_idx %arg12[%get3A_231] : memref<16xf32, #tpu.memory_space<vmem>>[vector<16xi32>], vector<16xf32>,
      %add3A_234 = arith.addf %add3A_220, %gather3A_232 : vector<16xf32>
      %mul3A_235 = arith.mulf %gather3A_232, %gather3A_232 : vector<16xf32>
      %add3A_236 = arith.addf %add3A_222, %mul3A_235 : vector<16xf32>
      %add3A_237 = arith.addf %add3A_223, %gather3A_233 : vector<16xf32>
      %mul3A_238 = arith.mulf %gather3A_233, %gather3A_233 : vector<16xf32>
      %add3A_239 = arith.addf %add3A_225, %mul3A_238 : vector<16xf32>
      %mul3A_240 = arith.constant 16 : i32
      %mul3A_241 = arith.muli %scan3A_72, %mul3A_240 : i32
      %get3A_242 = arith.constant 12 : i32
      %get3A_243 = arith.index_cast %get3A_242 : i32 to index
      %get3A_244 = arith.index_cast %mul3A_241 : i32 to index
      %get3A_245 = tpu.vector_load %arg9[%get3A_243, %get3A_244] {strides = array<i32>} : memref<16x1024xi32, #tpu.memory_space<vmem>>, vector<16xi32>,
      %gather3A_246 = tpu.vector_load_idx %arg11[%get3A_245] : memref<16xf32, #tpu.memory_space<vmem>>[vector<16xi32>], vector<16xf32>,
      %gather3A_247 = tpu.vector_load_idx %arg12[%get3A_245] : memref<16xf32, #tpu.memory_space<vmem>>[vector<16xi32>], vector<16xf32>,
      %add3A_248 = arith.addf %add3A_234, %gather3A_246 : vector<16xf32>
      %mul3A_249 = arith.mulf %gather3A_246, %gather3A_246 : vector<16xf32>
      %add3A_250 = arith.addf %add3A_236, %mul3A_249 : vector<16xf32>
      %add3A_251 = arith.addf %add3A_237, %gather3A_247 : vector<16xf32>
      %mul3A_252 = arith.mulf %gather3A_247, %gather3A_247 : vector<16xf32>
      %add3A_253 = arith.addf %add3A_239, %mul3A_252 : vector<16xf32>
      %mul3A_254 = arith.constant 16 : i32
      %mul3A_255 = arith.muli %scan3A_72, %mul3A_254 : i32
      %get3A_256 = arith.constant 13 : i32
      %get3A_257 = arith.index_cast %get3A_256 : i32 to index
      %get3A_258 = arith.index_cast %mul3A_255 : i32 to index
      %get3A_259 = tpu.vector_load %arg9[%get3A_257, %get3A_258] {strides = array<i32>} : memref<16x1024xi32, #tpu.memory_space<vmem>>, vector<16xi32>,
      %gather3A_260 = tpu.vector_load_idx %arg11[%get3A_259] : memref<16xf32, #tpu.memory_space<vmem>>[vector<16xi32>], vector<16xf32>,
      %gather3A_261 = tpu.vector_load_idx %arg12[%get3A_259] : memref<16xf32, #tpu.memory_space<vmem>>[vector<16xi32>], vector<16xf32>,
      %add3A_262 = arith.addf %add3A_248, %gather3A_260 : vector<16xf32>
      %mul3A_263 = arith.mulf %gather3A_260, %gather3A_260 : vector<16xf32>
      %add3A_264 = arith.addf %add3A_250, %mul3A_263 : vector<16xf32>
      %add3A_265 = arith.addf %add3A_251, %gather3A_261 : vector<16xf32>
      %mul3A_266 = arith.mulf %gather3A_261, %gather3A_261 : vector<16xf32>
      %add3A_267 = arith.addf %add3A_253, %mul3A_266 : vector<16xf32>
      %mul3A_268 = arith.constant 16 : i32
      %mul3A_269 = arith.muli %scan3A_72, %mul3A_268 : i32
      %get3A_270 = arith.constant 14 : i32
      %get3A_271 = arith.index_cast %get3A_270 : i32 to index
      %get3A_272 = arith.index_cast %mul3A_269 : i32 to index
      %get3A_273 = tpu.vector_load %arg9[%get3A_271, %get3A_272] {strides = array<i32>} : memref<16x1024xi32, #tpu.memory_space<vmem>>, vector<16xi32>,
      %gather3A_274 = tpu.vector_load_idx %arg11[%get3A_273] : memref<16xf32, #tpu.memory_space<vmem>>[vector<16xi32>], vector<16xf32>,
      %gather3A_275 = tpu.vector_load_idx %arg12[%get3A_273] : memref<16xf32, #tpu.memory_space<vmem>>[vector<16xi32>], vector<16xf32>,
      %add3A_276 = arith.addf %add3A_262, %gather3A_274 : vector<16xf32>
      %mul3A_277 = arith.mulf %gather3A_274, %gather3A_274 : vector<16xf32>
      %add3A_278 = arith.addf %add3A_264, %mul3A_277 : vector<16xf32>
      %add3A_279 = arith.addf %add3A_265, %gather3A_275 : vector<16xf32>
      %mul3A_280 = arith.mulf %gather3A_275, %gather3A_275 : vector<16xf32>
      %add3A_281 = arith.addf %add3A_267, %mul3A_280 : vector<16xf32>
      %mul3A_282 = arith.constant 16 : i32
      %mul3A_283 = arith.muli %scan3A_72, %mul3A_282 : i32
      %get3A_284 = arith.constant 15 : i32
      %get3A_285 = arith.index_cast %get3A_284 : i32 to index
      %get3A_286 = arith.index_cast %mul3A_283 : i32 to index
      %get3A_287 = tpu.vector_load %arg9[%get3A_285, %get3A_286] {strides = array<i32>} : memref<16x1024xi32, #tpu.memory_space<vmem>>, vector<16xi32>,
      %gather3A_288 = tpu.vector_load_idx %arg11[%get3A_287] : memref<16xf32, #tpu.memory_space<vmem>>[vector<16xi32>], vector<16xf32>,
      %gather3A_289 = tpu.vector_load_idx %arg12[%get3A_287] : memref<16xf32, #tpu.memory_space<vmem>>[vector<16xi32>], vector<16xf32>,
      %add3A_290 = arith.addf %add3A_276, %gather3A_288 : vector<16xf32>
      %mul3A_291 = arith.mulf %gather3A_288, %gather3A_288 : vector<16xf32>
      %add3A_292 = arith.addf %add3A_278, %mul3A_291 : vector<16xf32>
      %add3A_293 = arith.addf %add3A_279, %gather3A_289 : vector<16xf32>
      %mul3A_294 = arith.mulf %gather3A_289, %gather3A_289 : vector<16xf32>
      %add3A_295 = arith.addf %add3A_281, %mul3A_294 : vector<16xf32>
      %mul3A_296 = arith.constant 16 : i32
      %mul3A_297 = arith.muli %scan3A_72, %mul3A_296 : i32
      %get3A_298 = arith.constant 0 : i32
      %get3A_299 = arith.index_cast %get3A_298 : i32 to index
      %get3A_300 = arith.index_cast %mul3A_297 : i32 to index
      %get3A_301 = tpu.vector_load %arg13[%get3A_299, %get3A_300] {strides = array<i32>} : memref<2x1024xf32, #tpu.memory_space<vmem>>, vector<16xf32>,
      %div3A = arith.divf %add3A_292, %add3A_290 : vector<16xf32>
      %mul3A_302 = arith.constant 1.000000e-01 : f32
      %mul3A_303 = vector.broadcast %mul3A_302 : f32 to vector<16xf32>
      %mul3A_304 = arith.mulf %div3A, %mul3A_303 : vector<16xf32>
      %add3A_305 = arith.addf %get3A_301, %mul3A_304 : vector<16xf32>
      %mul3A_306 = arith.constant 16 : i32
      %mul3A_307 = arith.muli %scan3A_72, %mul3A_306 : i32
      %swap3A_308 = arith.constant 0 : i32
      %swap3A_309 = arith.index_cast %swap3A_308 : i32 to index
      %swap3A_310 = arith.index_cast %mul3A_307 : i32 to index
      %swap3A_311 = tpu.vector_load %arg13[%swap3A_309, %swap3A_310] {strides = array<i32>} : memref<2x1024xf32, #tpu.memory_space<vmem>>, vector<16xf32>,
      tpu.vector_store %arg13[%swap3A_309, %swap3A_310], %add3A_305 {strides = array<i32>} : memref<2x1024xf32, #tpu.memory_space<vmem>>, vector<16xf32>,
      %div3A_312 = arith.divf %add3A_295, %add3A_293 : vector<16xf32>
      %mul3A_313 = arith.constant 1.000000e-01 : f32
      %mul3A_314 = vector.broadcast %mul3A_313 : f32 to vector<16xf32>
      %mul3A_315 = arith.mulf %div3A_312, %mul3A_314 : vector<16xf32>
      %mul3A_316 = arith.constant 16 : i32
      %mul3A_317 = arith.muli %scan3A_72, %mul3A_316 : i32
      %swap3A_318 = arith.constant 1 : i32
      %swap3A_319 = arith.index_cast %swap3A_318 : i32 to index
      %swap3A_320 = arith.index_cast %mul3A_317 : i32 to index
      %swap3A_321 = tpu.vector_load %arg13[%swap3A_319, %swap3A_320] {strides = array<i32>} : memref<2x1024xf32, #tpu.memory_space<vmem>>, vector<16xf32>,
      tpu.vector_store %arg13[%swap3A_319, %swap3A_320], %mul3A_315 {strides = array<i32>} : memref<2x1024xf32, #tpu.memory_space<vmem>>, vector<16xf32>,
      %scan3A_322 = arith.constant 1 : i32
      %scan3A_323 = arith.addi %scan3A_72, %scan3A_322 : i32
      %mul3A_324 = arith.constant 16 : i32
      %mul3A_325 = arith.muli %scan3A_323, %mul3A_324 : i32
      %get3A_326 = arith.index_cast %mul3A_325 : i32 to index
      %get3A_327 = tpu.vector_load %arg7[%get3A_326] {strides = array<i32>} : memref<1024xi32, #tpu.memory_space<vmem>>, vector<16xi32>,
      %mul3A_328 = arith.constant 16 : i32
      %mul3A_329 = arith.muli %scan3A_323, %mul3A_328 : i32
      %get3A_330 = arith.constant 0 : i32
      %get3A_331 = arith.index_cast %get3A_330 : i32 to index
      %get3A_332 = arith.index_cast %mul3A_329 : i32 to index
      %get3A_333 = tpu.vector_load %arg9[%get3A_331, %get3A_332] {strides = array<i32>} : memref<16x1024xi32, #tpu.memory_space<vmem>>, vector<16xi32>,
      %gather3A_334 = tpu.vector_load_idx %arg11[%get3A_333] : memref<16xf32, #tpu.memory_space<vmem>>[vector<16xi32>], vector<16xf32>,
      %gather3A_335 = tpu.vector_load_idx %arg12[%get3A_333] : memref<16xf32, #tpu.memory_space<vmem>>[vector<16xi32>], vector<16xf32>,
      %mul3A_336 = arith.mulf %gather3A_334, %gather3A_334 : vector<16xf32>
      %mul3A_337 = arith.mulf %gather3A_335, %gather3A_335 : vector<16xf32>
      %mul3A_338 = arith.constant 16 : i32
      %mul3A_339 = arith.muli %scan3A_323, %mul3A_338 : i32
      %get3A_340 = arith.constant 1 : i32
      %get3A_341 = arith.index_cast %get3A_340 : i32 to index
      %get3A_342 = arith.index_cast %mul3A_339 : i32 to index
      %get3A_343 = tpu.vector_load %arg9[%get3A_341, %get3A_342] {strides = array<i32>} : memref<16x1024xi32, #tpu.memory_space<vmem>>, vector<16xi32>,
      %gather3A_344 = tpu.vector_load_idx %arg11[%get3A_343] : memref<16xf32, #tpu.memory_space<vmem>>[vector<16xi32>], vector<16xf32>,
      %gather3A_345 = tpu.vector_load_idx %arg12[%get3A_343] : memref<16xf32, #tpu.memory_space<vmem>>[vector<16xi32>], vector<16xf32>,
      %add3A_346 = arith.addf %gather3A_334, %gather3A_344 : vector<16xf32>
      %mul3A_347 = arith.mulf %gather3A_344, %gather3A_344 : vector<16xf32>
      %add3A_348 = arith.addf %mul3A_336, %mul3A_347 : vector<16xf32>
      %add3A_349 = arith.addf %gather3A_335, %gather3A_345 : vector<16xf32>
      %mul3A_350 = arith.mulf %gather3A_345, %gather3A_345 : vector<16xf32>
      %add3A_351 = arith.addf %mul3A_337, %mul3A_350 : vector<16xf32>
      %mul3A_352 = arith.constant 16 : i32
      %mul3A_353 = arith.muli %scan3A_323, %mul3A_352 : i32
      %get3A_354 = arith.constant 2 : i32
      %get3A_355 = arith.index_cast %get3A_354 : i32 to index
      %get3A_356 = arith.index_cast %mul3A_353 : i32 to index
      %get3A_357 = tpu.vector_load %arg9[%get3A_355, %get3A_356] {strides = array<i32>} : memref<16x1024xi32, #tpu.memory_space<vmem>>, vector<16xi32>,
      %gather3A_358 = tpu.vector_load_idx %arg11[%get3A_357] : memref<16xf32, #tpu.memory_space<vmem>>[vector<16xi32>], vector<16xf32>,
      %gather3A_359 = tpu.vector_load_idx %arg12[%get3A_357] : memref<16xf32, #tpu.memory_space<vmem>>[vector<16xi32>], vector<16xf32>,
      %add3A_360 = arith.addf %add3A_346, %gather3A_358 : vector<16xf32>
      %mul3A_361 = arith.mulf %gather3A_358, %gather3A_358 : vector<16xf32>
      %add3A_362 = arith.addf %add3A_348, %mul3A_361 : vector<16xf32>
      %add3A_363 = arith.addf %add3A_349, %gather3A_359 : vector<16xf32>
      %mul3A_364 = arith.mulf %gather3A_359, %gather3A_359 : vector<16xf32>
      %add3A_365 = arith.addf %add3A_351, %mul3A_364 : vector<16xf32>
      %mul3A_366 = arith.constant 16 : i32
      %mul3A_367 = arith.muli %scan3A_323, %mul3A_366 : i32
      %get3A_368 = arith.constant 3 : i32
      %get3A_369 = arith.index_cast %get3A_368 : i32 to index
      %get3A_370 = arith.index_cast %mul3A_367 : i32 to index
      %get3A_371 = tpu.vector_load %arg9[%get3A_369, %get3A_370] {strides = array<i32>} : memref<16x1024xi32, #tpu.memory_space<vmem>>, vector<16xi32>,
      %gather3A_372 = tpu.vector_load_idx %arg11[%get3A_371] : memref<16xf32, #tpu.memory_space<vmem>>[vector<16xi32>], vector<16xf32>,
      %gather3A_373 = tpu.vector_load_idx %arg12[%get3A_371] : memref<16xf32, #tpu.memory_space<vmem>>[vector<16xi32>], vector<16xf32>,
      %add3A_374 = arith.addf %add3A_360, %gather3A_372 : vector<16xf32>
      %mul3A_375 = arith.mulf %gather3A_372, %gather3A_372 : vector<16xf32>
      %add3A_376 = arith.addf %add3A_362, %mul3A_375 : vector<16xf32>
      %add3A_377 = arith.addf %add3A_363, %gather3A_373 : vector<16xf32>
      %mul3A_378 = arith.mulf %gather3A_373, %gather3A_373 : vector<16xf32>
      %add3A_379 = arith.addf %add3A_365, %mul3A_378 : vector<16xf32>
      %mul3A_380 = arith.constant 16 : i32
      %mul3A_381 = arith.muli %scan3A_323, %mul3A_380 : i32
      %get3A_382 = arith.constant 4 : i32
      %get3A_383 = arith.index_cast %get3A_382 : i32 to index
      %get3A_384 = arith.index_cast %mul3A_381 : i32 to index
      %get3A_385 = tpu.vector_load %arg9[%get3A_383, %get3A_384] {strides = array<i32>} : memref<16x1024xi32, #tpu.memory_space<vmem>>, vector<16xi32>,
      %gather3A_386 = tpu.vector_load_idx %arg11[%get3A_385] : memref<16xf32, #tpu.memory_space<vmem>>[vector<16xi32>], vector<16xf32>,
      %gather3A_387 = tpu.vector_load_idx %arg12[%get3A_385] : memref<16xf32, #tpu.memory_space<vmem>>[vector<16xi32>], vector<16xf32>,
      %add3A_388 = arith.addf %add3A_374, %gather3A_386 : vector<16xf32>
      %mul3A_389 = arith.mulf %gather3A_386, %gather3A_386 : vector<16xf32>
      %add3A_390 = arith.addf %add3A_376, %mul3A_389 : vector<16xf32>
      %add3A_391 = arith.addf %add3A_377, %gather3A_387 : vector<16xf32>
      %mul3A_392 = arith.mulf %gather3A_387, %gather3A_387 : vector<16xf32>
      %add3A_393 = arith.addf %add3A_379, %mul3A_392 : vector<16xf32>
      %mul3A_394 = arith.constant 16 : i32
      %mul3A_395 = arith.muli %scan3A_323, %mul3A_394 : i32
      %get3A_396 = arith.constant 5 : i32
      %get3A_397 = arith.index_cast %get3A_396 : i32 to index
      %get3A_398 = arith.index_cast %mul3A_395 : i32 to index
      %get3A_399 = tpu.vector_load %arg9[%get3A_397, %get3A_398] {strides = array<i32>} : memref<16x1024xi32, #tpu.memory_space<vmem>>, vector<16xi32>,
      %gather3A_400 = tpu.vector_load_idx %arg11[%get3A_399] : memref<16xf32, #tpu.memory_space<vmem>>[vector<16xi32>], vector<16xf32>,
      %gather3A_401 = tpu.vector_load_idx %arg12[%get3A_399] : memref<16xf32, #tpu.memory_space<vmem>>[vector<16xi32>], vector<16xf32>,
      %add3A_402 = arith.addf %add3A_388, %gather3A_400 : vector<16xf32>
      %mul3A_403 = arith.mulf %gather3A_400, %gather3A_400 : vector<16xf32>
      %add3A_404 = arith.addf %add3A_390, %mul3A_403 : vector<16xf32>
      %add3A_405 = arith.addf %add3A_391, %gather3A_401 : vector<16xf32>
      %mul3A_406 = arith.mulf %gather3A_401, %gather3A_401 : vector<16xf32>
      %add3A_407 = arith.addf %add3A_393, %mul3A_406 : vector<16xf32>
      %mul3A_408 = arith.constant 16 : i32
      %mul3A_409 = arith.muli %scan3A_323, %mul3A_408 : i32
      %get3A_410 = arith.constant 6 : i32
      %get3A_411 = arith.index_cast %get3A_410 : i32 to index
      %get3A_412 = arith.index_cast %mul3A_409 : i32 to index
      %get3A_413 = tpu.vector_load %arg9[%get3A_411, %get3A_412] {strides = array<i32>} : memref<16x1024xi32, #tpu.memory_space<vmem>>, vector<16xi32>,
      %gather3A_414 = tpu.vector_load_idx %arg11[%get3A_413] : memref<16xf32, #tpu.memory_space<vmem>>[vector<16xi32>], vector<16xf32>,
      %gather3A_415 = tpu.vector_load_idx %arg12[%get3A_413] : memref<16xf32, #tpu.memory_space<vmem>>[vector<16xi32>], vector<16xf32>,
      %add3A_416 = arith.addf %add3A_402, %gather3A_414 : vector<16xf32>
      %mul3A_417 = arith.mulf %gather3A_414, %gather3A_414 : vector<16xf32>
      %add3A_418 = arith.addf %add3A_404, %mul3A_417 : vector<16xf32>
      %add3A_419 = arith.addf %add3A_405, %gather3A_415 : vector<16xf32>
      %mul3A_420 = arith.mulf %gather3A_415, %gather3A_415 : vector<16xf32>
      %add3A_421 = arith.addf %add3A_407, %mul3A_420 : vector<16xf32>
      %mul3A_422 = arith.constant 16 : i32
      %mul3A_423 = arith.muli %scan3A_323, %mul3A_422 : i32
      %get3A_424 = arith.constant 7 : i32
      %get3A_425 = arith.index_cast %get3A_424 : i32 to index
      %get3A_426 = arith.index_cast %mul3A_423 : i32 to index
      %get3A_427 = tpu.vector_load %arg9[%get3A_425, %get3A_426] {strides = array<i32>} : memref<16x1024xi32, #tpu.memory_space<vmem>>, vector<16xi32>,
      %gather3A_428 = tpu.vector_load_idx %arg11[%get3A_427] : memref<16xf32, #tpu.memory_space<vmem>>[vector<16xi32>], vector<16xf32>,
      %gather3A_429 = tpu.vector_load_idx %arg12[%get3A_427] : memref<16xf32, #tpu.memory_space<vmem>>[vector<16xi32>], vector<16xf32>,
      %add3A_430 = arith.addf %add3A_416, %gather3A_428 : vector<16xf32>
      %mul3A_431 = arith.mulf %gather3A_428, %gather3A_428 : vector<16xf32>
      %add3A_432 = arith.addf %add3A_418, %mul3A_431 : vector<16xf32>
      %add3A_433 = arith.addf %add3A_419, %gather3A_429 : vector<16xf32>
      %mul3A_434 = arith.mulf %gather3A_429, %gather3A_429 : vector<16xf32>
      %add3A_435 = arith.addf %add3A_421, %mul3A_434 : vector<16xf32>
      %mul3A_436 = arith.constant 16 : i32
      %mul3A_437 = arith.muli %scan3A_323, %mul3A_436 : i32
      %get3A_438 = arith.constant 8 : i32
      %get3A_439 = arith.index_cast %get3A_438 : i32 to index
      %get3A_440 = arith.index_cast %mul3A_437 : i32 to index
      %get3A_441 = tpu.vector_load %arg9[%get3A_439, %get3A_440] {strides = array<i32>} : memref<16x1024xi32, #tpu.memory_space<vmem>>, vector<16xi32>,
      %gather3A_442 = tpu.vector_load_idx %arg11[%get3A_441] : memref<16xf32, #tpu.memory_space<vmem>>[vector<16xi32>], vector<16xf32>,
      %gather3A_443 = tpu.vector_load_idx %arg12[%get3A_441] : memref<16xf32, #tpu.memory_space<vmem>>[vector<16xi32>], vector<16xf32>,
      %add3A_444 = arith.addf %add3A_430, %gather3A_442 : vector<16xf32>
      %mul3A_445 = arith.mulf %gather3A_442, %gather3A_442 : vector<16xf32>
      %add3A_446 = arith.addf %add3A_432, %mul3A_445 : vector<16xf32>
      %add3A_447 = arith.addf %add3A_433, %gather3A_443 : vector<16xf32>
      %mul3A_448 = arith.mulf %gather3A_443, %gather3A_443 : vector<16xf32>
      %add3A_449 = arith.addf %add3A_435, %mul3A_448 : vector<16xf32>
      %mul3A_450 = arith.constant 16 : i32
      %mul3A_451 = arith.muli %scan3A_323, %mul3A_450 : i32
      %get3A_452 = arith.constant 9 : i32
      %get3A_453 = arith.index_cast %get3A_452 : i32 to index
      %get3A_454 = arith.index_cast %mul3A_451 : i32 to index
      %get3A_455 = tpu.vector_load %arg9[%get3A_453, %get3A_454] {strides = array<i32>} : memref<16x1024xi32, #tpu.memory_space<vmem>>, vector<16xi32>,
      %gather3A_456 = tpu.vector_load_idx %arg11[%get3A_455] : memref<16xf32, #tpu.memory_space<vmem>>[vector<16xi32>], vector<16xf32>,
      %gather3A_457 = tpu.vector_load_idx %arg12[%get3A_455] : memref<16xf32, #tpu.memory_space<vmem>>[vector<16xi32>], vector<16xf32>,
      %add3A_458 = arith.addf %add3A_444, %gather3A_456 : vector<16xf32>
      %mul3A_459 = arith.mulf %gather3A_456, %gather3A_456 : vector<16xf32>
      %add3A_460 = arith.addf %add3A_446, %mul3A_459 : vector<16xf32>
      %add3A_461 = arith.addf %add3A_447, %gather3A_457 : vector<16xf32>
      %mul3A_462 = arith.mulf %gather3A_457, %gather3A_457 : vector<16xf32>
      %add3A_463 = arith.addf %add3A_449, %mul3A_462 : vector<16xf32>
      %mul3A_464 = arith.constant 16 : i32
      %mul3A_465 = arith.muli %scan3A_323, %mul3A_464 : i32
      %get3A_466 = arith.constant 10 : i32
      %get3A_467 = arith.index_cast %get3A_466 : i32 to index
      %get3A_468 = arith.index_cast %mul3A_465 : i32 to index
      %get3A_469 = tpu.vector_load %arg9[%get3A_467, %get3A_468] {strides = array<i32>} : memref<16x1024xi32, #tpu.memory_space<vmem>>, vector<16xi32>,
      %gather3A_470 = tpu.vector_load_idx %arg11[%get3A_469] : memref<16xf32, #tpu.memory_space<vmem>>[vector<16xi32>], vector<16xf32>,
      %gather3A_471 = tpu.vector_load_idx %arg12[%get3A_469] : memref<16xf32, #tpu.memory_space<vmem>>[vector<16xi32>], vector<16xf32>,
      %add3A_472 = arith.addf %add3A_458, %gather3A_470 : vector<16xf32>
      %mul3A_473 = arith.mulf %gather3A_470, %gather3A_470 : vector<16xf32>
      %add3A_474 = arith.addf %add3A_460, %mul3A_473 : vector<16xf32>
      %add3A_475 = arith.addf %add3A_461, %gather3A_471 : vector<16xf32>
      %mul3A_476 = arith.mulf %gather3A_471, %gather3A_471 : vector<16xf32>
      %add3A_477 = arith.addf %add3A_463, %mul3A_476 : vector<16xf32>
      %mul3A_478 = arith.constant 16 : i32
      %mul3A_479 = arith.muli %scan3A_323, %mul3A_478 : i32
      %get3A_480 = arith.constant 11 : i32
      %get3A_481 = arith.index_cast %get3A_480 : i32 to index
      %get3A_482 = arith.index_cast %mul3A_479 : i32 to index
      %get3A_483 = tpu.vector_load %arg9[%get3A_481, %get3A_482] {strides = array<i32>} : memref<16x1024xi32, #tpu.memory_space<vmem>>, vector<16xi32>,
      %gather3A_484 = tpu.vector_load_idx %arg11[%get3A_483] : memref<16xf32, #tpu.memory_space<vmem>>[vector<16xi32>], vector<16xf32>,
      %gather3A_485 = tpu.vector_load_idx %arg12[%get3A_483] : memref<16xf32, #tpu.memory_space<vmem>>[vector<16xi32>], vector<16xf32>,
      %add3A_486 = arith.addf %add3A_472, %gather3A_484 : vector<16xf32>
      %mul3A_487 = arith.mulf %gather3A_484, %gather3A_484 : vector<16xf32>
      %add3A_488 = arith.addf %add3A_474, %mul3A_487 : vector<16xf32>
      %add3A_489 = arith.addf %add3A_475, %gather3A_485 : vector<16xf32>
      %mul3A_490 = arith.mulf %gather3A_485, %gather3A_485 : vector<16xf32>
      %add3A_491 = arith.addf %add3A_477, %mul3A_490 : vector<16xf32>
      %mul3A_492 = arith.constant 16 : i32
      %mul3A_493 = arith.muli %scan3A_323, %mul3A_492 : i32
      %get3A_494 = arith.constant 12 : i32
      %get3A_495 = arith.index_cast %get3A_494 : i32 to index
      %get3A_496 = arith.index_cast %mul3A_493 : i32 to index
      %get3A_497 = tpu.vector_load %arg9[%get3A_495, %get3A_496] {strides = array<i32>} : memref<16x1024xi32, #tpu.memory_space<vmem>>, vector<16xi32>,
      %gather3A_498 = tpu.vector_load_idx %arg11[%get3A_497] : memref<16xf32, #tpu.memory_space<vmem>>[vector<16xi32>], vector<16xf32>,
      %gather3A_499 = tpu.vector_load_idx %arg12[%get3A_497] : memref<16xf32, #tpu.memory_space<vmem>>[vector<16xi32>], vector<16xf32>,
      %add3A_500 = arith.addf %add3A_486, %gather3A_498 : vector<16xf32>
      %mul3A_501 = arith.mulf %gather3A_498, %gather3A_498 : vector<16xf32>
      %add3A_502 = arith.addf %add3A_488, %mul3A_501 : vector<16xf32>
      %add3A_503 = arith.addf %add3A_489, %gather3A_499 : vector<16xf32>
      %mul3A_504 = arith.mulf %gather3A_499, %gather3A_499 : vector<16xf32>
      %add3A_505 = arith.addf %add3A_491, %mul3A_504 : vector<16xf32>
      %mul3A_506 = arith.constant 16 : i32
      %mul3A_507 = arith.muli %scan3A_323, %mul3A_506 : i32
      %get3A_508 = arith.constant 13 : i32
      %get3A_509 = arith.index_cast %get3A_508 : i32 to index
      %get3A_510 = arith.index_cast %mul3A_507 : i32 to index
      %get3A_511 = tpu.vector_load %arg9[%get3A_509, %get3A_510] {strides = array<i32>} : memref<16x1024xi32, #tpu.memory_space<vmem>>, vector<16xi32>,
      %gather3A_512 = tpu.vector_load_idx %arg11[%get3A_511] : memref<16xf32, #tpu.memory_space<vmem>>[vector<16xi32>], vector<16xf32>,
      %gather3A_513 = tpu.vector_load_idx %arg12[%get3A_511] : memref<16xf32, #tpu.memory_space<vmem>>[vector<16xi32>], vector<16xf32>,
      %add3A_514 = arith.addf %add3A_500, %gather3A_512 : vector<16xf32>
      %mul3A_515 = arith.mulf %gather3A_512, %gather3A_512 : vector<16xf32>
      %add3A_516 = arith.addf %add3A_502, %mul3A_515 : vector<16xf32>
      %add3A_517 = arith.addf %add3A_503, %gather3A_513 : vector<16xf32>
      %mul3A_518 = arith.mulf %gather3A_513, %gather3A_513 : vector<16xf32>
      %add3A_519 = arith.addf %add3A_505, %mul3A_518 : vector<16xf32>
      %mul3A_520 = arith.constant 16 : i32
      %mul3A_521 = arith.muli %scan3A_323, %mul3A_520 : i32
      %get3A_522 = arith.constant 14 : i32
      %get3A_523 = arith.index_cast %get3A_522 : i32 to index
      %get3A_524 = arith.index_cast %mul3A_521 : i32 to index
      %get3A_525 = tpu.vector_load %arg9[%get3A_523, %get3A_524] {strides = array<i32>} : memref<16x1024xi32, #tpu.memory_space<vmem>>, vector<16xi32>,
      %gather3A_526 = tpu.vector_load_idx %arg11[%get3A_525] : memref<16xf32, #tpu.memory_space<vmem>>[vector<16xi32>], vector<16xf32>,
      %gather3A_527 = tpu.vector_load_idx %arg12[%get3A_525] : memref<16xf32, #tpu.memory_space<vmem>>[vector<16xi32>], vector<16xf32>,
      %add3A_528 = arith.addf %add3A_514, %gather3A_526 : vector<16xf32>
      %mul3A_529 = arith.mulf %gather3A_526, %gather3A_526 : vector<16xf32>
      %add3A_530 = arith.addf %add3A_516, %mul3A_529 : vector<16xf32>
      %add3A_531 = arith.addf %add3A_517, %gather3A_527 : vector<16xf32>
      %mul3A_532 = arith.mulf %gather3A_527, %gather3A_527 : vector<16xf32>
      %add3A_533 = arith.addf %add3A_519, %mul3A_532 : vector<16xf32>
      %mul3A_534 = arith.constant 16 : i32
      %mul3A_535 = arith.muli %scan3A_323, %mul3A_534 : i32
      %get3A_536 = arith.constant 15 : i32
      %get3A_537 = arith.index_cast %get3A_536 : i32 to index
      %get3A_538 = arith.index_cast %mul3A_535 : i32 to index
      %get3A_539 = tpu.vector_load %arg9[%get3A_537, %get3A_538] {strides = array<i32>} : memref<16x1024xi32, #tpu.memory_space<vmem>>, vector<16xi32>,
      %gather3A_540 = tpu.vector_load_idx %arg11[%get3A_539] : memref<16xf32, #tpu.memory_space<vmem>>[vector<16xi32>], vector<16xf32>,
      %gather3A_541 = tpu.vector_load_idx %arg12[%get3A_539] : memref<16xf32, #tpu.memory_space<vmem>>[vector<16xi32>], vector<16xf32>,
      %add3A_542 = arith.addf %add3A_528, %gather3A_540 : vector<16xf32>
      %mul3A_543 = arith.mulf %gather3A_540, %gather3A_540 : vector<16xf32>
      %add3A_544 = arith.addf %add3A_530, %mul3A_543 : vector<16xf32>
      %add3A_545 = arith.addf %add3A_531, %gather3A_541 : vector<16xf32>
      %mul3A_546 = arith.mulf %gather3A_541, %gather3A_541 : vector<16xf32>
      %add3A_547 = arith.addf %add3A_533, %mul3A_546 : vector<16xf32>
      %mul3A_548 = arith.constant 16 : i32
      %mul3A_549 = arith.muli %scan3A_323, %mul3A_548 : i32
      %get3A_550 = arith.constant 0 : i32
      %get3A_551 = arith.index_cast %get3A_550 : i32 to index
      %get3A_552 = arith.index_cast %mul3A_549 : i32 to index
      %get3A_553 = tpu.vector_load %arg13[%get3A_551, %get3A_552] {strides = array<i32>} : memref<2x1024xf32, #tpu.memory_space<vmem>>, vector<16xf32>,
      %div3A_554 = arith.divf %add3A_544, %add3A_542 : vector<16xf32>
      %mul3A_555 = arith.constant 1.000000e-01 : f32
      %mul3A_556 = vector.broadcast %mul3A_555 : f32 to vector<16xf32>
      %mul3A_557 = arith.mulf %div3A_554, %mul3A_556 : vector<16xf32>
      %add3A_558 = arith.addf %get3A_553, %mul3A_557 : vector<16xf32>
      %mul3A_559 = arith.constant 16 : i32
      %mul3A_560 = arith.muli %scan3A_323, %mul3A_559 : i32
      %swap3A_561 = arith.constant 0 : i32
      %swap3A_562 = arith.index_cast %swap3A_561 : i32 to index
      %swap3A_563 = arith.index_cast %mul3A_560 : i32 to index
      %swap3A_564 = tpu.vector_load %arg13[%swap3A_562, %swap3A_563] {strides = array<i32>} : memref<2x1024xf32, #tpu.memory_space<vmem>>, vector<16xf32>,
      tpu.vector_store %arg13[%swap3A_562, %swap3A_563], %add3A_558 {strides = array<i32>} : memref<2x1024xf32, #tpu.memory_space<vmem>>, vector<16xf32>,
      %div3A_565 = arith.divf %add3A_547, %add3A_545 : vector<16xf32>
      %mul3A_566 = arith.constant 1.000000e-01 : f32
      %mul3A_567 = vector.broadcast %mul3A_566 : f32 to vector<16xf32>
      %mul3A_568 = arith.mulf %div3A_565, %mul3A_567 : vector<16xf32>
      %mul3A_569 = arith.constant 16 : i32
      %mul3A_570 = arith.muli %scan3A_323, %mul3A_569 : i32
      %swap3A_571 = arith.constant 1 : i32
      %swap3A_572 = arith.index_cast %swap3A_571 : i32 to index
      %swap3A_573 = arith.index_cast %mul3A_570 : i32 to index
      %swap3A_574 = tpu.vector_load %arg13[%swap3A_572, %swap3A_573] {strides = array<i32>} : memref<2x1024xf32, #tpu.memory_space<vmem>>, vector<16xf32>,
      tpu.vector_store %arg13[%swap3A_572, %swap3A_573], %mul3A_568 {strides = array<i32>} : memref<2x1024xf32, #tpu.memory_space<vmem>>, vector<16xf32>,
    }
    %scan3A_59 = arith.constant 64 : i32
    %dma_wait3A_60 = arith.constant 0 : i32
    %dma_wait3A_61 = tpu.memref_slice %arg5[%add3A_47, %dma_wait3A_60] : memref<64x100000xf32, #tpu.memory_space<hbm>> -> memref<1x100000xf32, #tpu.memory_space<hbm>>
    %dma_wait3A_62 = tpu.memref_squeeze %dma_wait3A_61 : memref<1x100000xf32, #tpu.memory_space<hbm>> -> memref<100000xf32, #tpu.memory_space<hbm>>
    %dma_wait3A_63 = arith.constant 0 : i32
    %dma_wait3A_64 = tpu.memref_slice %arg5[%add3A_47, %dma_wait3A_63] : memref<64x100000xf32, #tpu.memory_space<hbm>> -> memref<1x100000xf32, #tpu.memory_space<hbm>>
    %dma_wait3A_65 = tpu.memref_squeeze %dma_wait3A_64 : memref<1x100000xf32, #tpu.memory_space<hbm>> -> memref<100000xf32, #tpu.memory_space<hbm>>
    tpu.wait_dma2 semaphore(%arg15 : memref<!tpu.dma_semaphore, #tpu.memory_space<semaphore_mem>>) src(%dma_wait3A_65 : memref<100000xf32, #tpu.memory_space<hbm>>) dst(%arg8 : memref<100000xf32, #tpu.memory_space<vmem>>)
    %scan3A_66 = arith.constant 0 : i32
    %scan3A_67 = arith.constant 0 : i32
    %scan3A_68 = arith.constant 64 : i32
    %scan3A_69 = arith.addi %scan3A_67, %scan3A_68 : i32
    %scan3A_70 = arith.constant 4 : i32
    scf.for %scan3A_72 = %scan3A_67 to %scan3A_69 step %scan3A_70  : i32 {
      %mul3A_73 = arith.constant 16 : i32
      %mul3A_74 = arith.muli %scan3A_72, %mul3A_73 : i32
      %get3A = arith.index_cast %mul3A_74 : i32 to index
      %get3A_75 = tpu.vector_load %arg7[%get3A] {strides = array<i32>} : memref<1024xi32, #tpu.memory_space<vmem>>, vector<16xi32>,
      %gather3A_76 = tpu.vector_load_idx %arg8[%get3A_75] : memref<100000xf32, #tpu.memory_space<vmem>>[vector<16xi32>], vector<16xf32>,
      %mul3A_77 = arith.constant 16 : i32
      %mul3A_78 = arith.muli %scan3A_72, %mul3A_77 : i32
      %get3A_79 = arith.constant 1 : i32
      %get3A_80 = arith.index_cast %get3A_79 : i32 to index
      %get3A_81 = arith.index_cast %mul3A_78 : i32 to index
      %get3A_82 = tpu.vector_load %arg13[%get3A_80, %get3A_81] {strides = array<i32>} : memref<2x1024xf32, #tpu.memory_space<vmem>>, vector<16xf32>,
      %mul3A_83 = arith.constant 0.899999976 : f32
      %mul3A_84 = vector.broadcast %mul3A_83 : f32 to vector<16xf32>
      %mul3A_85 = arith.mulf %gather3A_76, %mul3A_84 : vector<16xf32>
      %add3A_86 = arith.addf %get3A_82, %mul3A_85 : vector<16xf32>
      %mul3A_87 = arith.constant 16 : i32
      %mul3A_88 = arith.muli %scan3A_72, %mul3A_87 : i32
      %swap3A_89 = arith.constant 1 : i32
      %swap3A_90 = arith.index_cast %swap3A_89 : i32 to index
      %swap3A_91 = arith.index_cast %mul3A_88 : i32 to index
      %swap3A_92 = tpu.vector_load %arg13[%swap3A_90, %swap3A_91] {strides = array<i32>} : memref<2x1024xf32, #tpu.memory_space<vmem>>, vector<16xf32>,
      tpu.vector_store %arg13[%swap3A_90, %swap3A_91], %add3A_86 {strides = array<i32>} : memref<2x1024xf32, #tpu.memory_space<vmem>>, vector<16xf32>,
      %scan3A_93 = arith.constant 1 : i32
      %scan3A_94 = arith.addi %scan3A_72, %scan3A_93 : i32
      %mul3A_95 = arith.constant 16 : i32
      %mul3A_96 = arith.muli %scan3A_94, %mul3A_95 : i32
      %get3A_97 = arith.index_cast %mul3A_96 : i32 to index
      %get3A_98 = tpu.vector_load %arg7[%get3A_97] {strides = array<i32>} : memref<1024xi32, #tpu.memory_space<vmem>>, vector<16xi32>,
      %gather3A_99 = tpu.vector_load_idx %arg8[%get3A_98] : memref<100000xf32, #tpu.memory_space<vmem>>[vector<16xi32>], vector<16xf32>,
      %mul3A_100 = arith.constant 16 : i32
      %mul3A_101 = arith.muli %scan3A_94, %mul3A_100 : i32
      %get3A_102 = arith.constant 1 : i32
      %get3A_103 = arith.index_cast %get3A_102 : i32 to index
      %get3A_104 = arith.index_cast %mul3A_101 : i32 to index
      %get3A_105 = tpu.vector_load %arg13[%get3A_103, %get3A_104] {strides = array<i32>} : memref<2x1024xf32, #tpu.memory_space<vmem>>, vector<16xf32>,
      %mul3A_106 = arith.constant 0.899999976 : f32
      %mul3A_107 = vector.broadcast %mul3A_106 : f32 to vector<16xf32>
      %mul3A_108 = arith.mulf %gather3A_99, %mul3A_107 : vector<16xf32>
      %add3A_109 = arith.addf %get3A_105, %mul3A_108 : vector<16xf32>
      %mul3A_110 = arith.constant 16 : i32
      %mul3A_111 = arith.muli %scan3A_94, %mul3A_110 : i32
      %swap3A_112 = arith.constant 1 : i32
      %swap3A_113 = arith.index_cast %swap3A_112 : i32 to index
      %swap3A_114 = arith.index_cast %mul3A_111 : i32 to index
      %swap3A_115 = tpu.vector_load %arg13[%swap3A_113, %swap3A_114] {strides = array<i32>} : memref<2x1024xf32, #tpu.memory_space<vmem>>, vector<16xf32>,
      tpu.vector_store %arg13[%swap3A_113, %swap3A_114], %add3A_109 {strides = array<i32>} : memref<2x1024xf32, #tpu.memory_space<vmem>>, vector<16xf32>,
      %scan3A_116 = arith.constant 2 : i32
      %scan3A_117 = arith.addi %scan3A_72, %scan3A_116 : i32
      %mul3A_118 = arith.constant 16 : i32
      %mul3A_119 = arith.muli %scan3A_117, %mul3A_118 : i32
      %get3A_120 = arith.index_cast %mul3A_119 : i32 to index
      %get3A_121 = tpu.vector_load %arg7[%get3A_120] {strides = array<i32>} : memref<1024xi32, #tpu.memory_space<vmem>>, vector<16xi32>,
      %gather3A_122 = tpu.vector_load_idx %arg8[%get3A_121] : memref<100000xf32, #tpu.memory_space<vmem>>[vector<16xi32>], vector<16xf32>,
      %mul3A_123 = arith.constant 16 : i32
      %mul3A_124 = arith.muli %scan3A_117, %mul3A_123 : i32
      %get3A_125 = arith.constant 1 : i32
      %get3A_126 = arith.index_cast %get3A_125 : i32 to index
      %get3A_127 = arith.index_cast %mul3A_124 : i32 to index
      %get3A_128 = tpu.vector_load %arg13[%get3A_126, %get3A_127] {strides = array<i32>} : memref<2x1024xf32, #tpu.memory_space<vmem>>, vector<16xf32>,
      %mul3A_129 = arith.constant 0.899999976 : f32
      %mul3A_130 = vector.broadcast %mul3A_129 : f32 to vector<16xf32>
      %mul3A_131 = arith.mulf %gather3A_122, %mul3A_130 : vector<16xf32>
      %add3A_132 = arith.addf %get3A_128, %mul3A_131 : vector<16xf32>
      %mul3A_133 = arith.constant 16 : i32
      %mul3A_134 = arith.muli %scan3A_117, %mul3A_133 : i32
      %swap3A_135 = arith.constant 1 : i32
      %swap3A_136 = arith.index_cast %swap3A_135 : i32 to index
      %swap3A_137 = arith.index_cast %mul3A_134 : i32 to index
      %swap3A_138 = tpu.vector_load %arg13[%swap3A_136, %swap3A_137] {strides = array<i32>} : memref<2x1024xf32, #tpu.memory_space<vmem>>, vector<16xf32>,
      tpu.vector_store %arg13[%swap3A_136, %swap3A_137], %add3A_132 {strides = array<i32>} : memref<2x1024xf32, #tpu.memory_space<vmem>>, vector<16xf32>,
      %scan3A_139 = arith.constant 3 : i32
      %scan3A_140 = arith.addi %scan3A_72, %scan3A_139 : i32
      %mul3A_141 = arith.constant 16 : i32
      %mul3A_142 = arith.muli %scan3A_140, %mul3A_141 : i32
      %get3A_143 = arith.index_cast %mul3A_142 : i32 to index
      %get3A_144 = tpu.vector_load %arg7[%get3A_143] {strides = array<i32>} : memref<1024xi32, #tpu.memory_space<vmem>>, vector<16xi32>,
      %gather3A_145 = tpu.vector_load_idx %arg8[%get3A_144] : memref<100000xf32, #tpu.memory_space<vmem>>[vector<16xi32>], vector<16xf32>,
      %mul3A_146 = arith.constant 16 : i32
      %mul3A_147 = arith.muli %scan3A_140, %mul3A_146 : i32
      %get3A_148 = arith.constant 1 : i32
      %get3A_149 = arith.index_cast %get3A_148 : i32 to index
      %get3A_150 = arith.index_cast %mul3A_147 : i32 to index
      %get3A_151 = tpu.vector_load %arg13[%get3A_149, %get3A_150] {strides = array<i32>} : memref<2x1024xf32, #tpu.memory_space<vmem>>, vector<16xf32>,
      %mul3A_152 = arith.constant 0.899999976 : f32
      %mul3A_153 = vector.broadcast %mul3A_152 : f32 to vector<16xf32>
      %mul3A_154 = arith.mulf %gather3A_145, %mul3A_153 : vector<16xf32>
      %add3A_155 = arith.addf %get3A_151, %mul3A_154 : vector<16xf32>
      %mul3A_156 = arith.constant 16 : i32
      %mul3A_157 = arith.muli %scan3A_140, %mul3A_156 : i32
      %swap3A_158 = arith.constant 1 : i32
      %swap3A_159 = arith.index_cast %swap3A_158 : i32 to index
      %swap3A_160 = arith.index_cast %mul3A_157 : i32 to index
      %swap3A_161 = tpu.vector_load %arg13[%swap3A_159, %swap3A_160] {strides = array<i32>} : memref<2x1024xf32, #tpu.memory_space<vmem>>, vector<16xf32>,
      tpu.vector_store %arg13[%swap3A_159, %swap3A_160], %add3A_155 {strides = array<i32>} : memref<2x1024xf32, #tpu.memory_space<vmem>>, vector<16xf32>,
    }
    %scan3A_71 = arith.constant 64 : i32
    "tpu.region"() ({
      %run_scoped3A = tpu.sem_alloc : memref<!tpu.dma_semaphore, #tpu.memory_space<semaphore_mem>>
      %dma_start3A_72 = arith.constant 0 : i32
      %dma_start3A_73 = tpu.memref_slice %arg6[%mul3A_2, %dma_start3A_72] : memref<64x1024xf32, #tpu.memory_space<hbm>> -> memref<2x1024xf32, #tpu.memory_space<hbm>>
      %dma_start3A_74 = arith.constant 0 : i32
      %dma_start3A_75 = tpu.memref_slice %arg6[%mul3A_2, %dma_start3A_74] : memref<64x1024xf32, #tpu.memory_space<hbm>> -> memref<2x1024xf32, #tpu.memory_space<hbm>>
      tpu.enqueue_dma source(%arg13 : memref<2x1024xf32, #tpu.memory_space<vmem>>) target(%dma_start3A_75 : memref<2x1024xf32, #tpu.memory_space<hbm>>) target_semaphore(%run_scoped3A : memref<!tpu.dma_semaphore, #tpu.memory_space<semaphore_mem>>)
      %dma_wait3A_76 = arith.constant 0 : i32
      %dma_wait3A_77 = tpu.memref_slice %arg6[%mul3A_2, %dma_wait3A_76] : memref<64x1024xf32, #tpu.memory_space<hbm>> -> memref<2x1024xf32, #tpu.memory_space<hbm>>
      %dma_wait3A_78 = arith.constant 0 : i32
      %dma_wait3A_79 = tpu.memref_slice %arg6[%mul3A_2, %dma_wait3A_78] : memref<64x1024xf32, #tpu.memory_space<hbm>> -> memref<2x1024xf32, #tpu.memory_space<hbm>>
      tpu.wait_dma2 semaphore(%run_scoped3A : memref<!tpu.dma_semaphore, #tpu.memory_space<semaphore_mem>>) src(%arg13 : memref<2x1024xf32, #tpu.memory_space<vmem>>) dst(%dma_wait3A_79 : memref<2x1024xf32, #tpu.memory_space<hbm>>)
      tpu.yield
    }) : () -> ()
    return
  }
}

</mosaic_0001>

<sc_bundles>
// kernel: kernel.3.cloned.1.call-start
scs
__scs_entry_jumppad:
0x0: {  	(pc) =	sbr.rel $0x88, $3  }
0x1: {  	(tag) =	ssettag $0x0;
	lr =	simm.s32 $0x1  }
0x2: {  	[smem:$0x3F9D] =	sst lr;
	_ =	strace $0xD0000000  }
0x3: {  	_ = 	snop  }
0x4: {  	_ = 	snop  }
0x5: {  	_ = 	snop  }
0x6: {  	_ = 	snop  }
0x7: {  	_ = 	snop  }
__scs_overlays_trampoline_lowered:
0x8: {  	[smem:$0x3FAC] =	sst s0  }
0x9: {  	[smem:$0x3FAD] =	sst s1  }
0xa: {  	[smem:$0x3FAE] =	sst s2  }
0xb: {  	[smem:$0x3FAF] =	sst s3  }
0xc: {  	[smem:$0x3FB0] =	sst s4  }
0xd: {  	[smem:$0x3FB1] =	sst s5  }
0xe: {  	[smem:$0x3FB2] =	sst s6  }
0xf: {  	[smem:$0x3FB3] =	sst s7  }
0x10: {  	[smem:$0x3FB4] =	sst s8  }
0x11: {  	[smem:$0x3FB5] =	sst s9;
	s0 =	simm.s32 @!p0 $0x0  }
0x12: {  	s1 =	sld [smem:$0x3F9B];
	s0 =	simm.s32 @p0 $0x1  }
0x13: {  	[smem:$0x3FB6] =	sst s0;
	s0 =	simm.s32 @!p1 $0x0  }
0x14: {  	s2 =	sld [smem:$0x3F9A];
	s0 =	simm.s32 @p1 $0x1  }
0x15: {  	[smem:$0x3FB7] =	sst s0;
	s0 =	simm.s32 @!p2 $0x0  }
0x16: {  	s3 =	sld [smem:$0x3FDB];
	s0 =	simm.s32 @p2 $0x1  }
0x17: {  	s4 =	simm.s32 $0x1BF5;
	[smem:$0x3FB9] =	sst s0  }
0x18: {  	s0 =	sld [smem:$0x3F9C];
	_ =	swait.ge [sflag:s4], $0x0  }
0x19: {  	s7 =	sld [smem:$0x3F9D]  }
0x1a: {  	s8 =	sadd.s32 $0xFFFFE003, lr  }
0x1b: {  	s9 =	sadd.s32 $0xFFFFFEF7, lr;
	s5 =	simm.s32 $0xFFFFFFFF;
	p2 =	slt.u32 s8, $0xFFFFF086  }
0x1c: {  	p1 =	slt.u32 s9, $0xF7A;
	s5 =	simm.s32 @!p2 $0x0  }
0x1d: {  	s5 =	simm.s32 @p1 $0x1;
	p0 =	seq.s32 s7, s2  }
0x1e: {  	s7 =	smul.u32 @!p0 $0xF7A, s2;
	p2 =	seq.s32 @!p0 s5, $0x0  }
0x1f: {  	s9 =	smul.u32 $0xF7A, s1;
	s8 =	simm.s32 @!p0 $0x1BF5;
	p2 =	por !p2, p0  }
0x20: {  	[sflag:s8] =	ssyncset.s32 @!p0 $0xFFFFF086;
	s6 =	sadd.s32 @!p0 s3, s7;
	s7 =	simm.s32 @!p0 $0x108  }
0x21: {  	s3 =	sadd.s32 s3, s9;
	s6 =	sadd.s32 @!p0 $0x88, s6;
	s7 =	simm.s32 @p2 $0x1082  }
0x22: {  	[simem:s7], [sflag:s8] =	dma.local @!p0 [hbm:s6], $0xF7A  }
0x23: {  	s9 =	sor.u32 $0xD0000000, s2;
	s6 =	simm.s32 $0x108;
	_ =	swait.ge @!p0 [sflag:s8], $0x0  }
0x24: {  	s3 =	sadd.s32 $0x88, s3;
	s6 =	simm.s32 @!p1 $0x1082;
	[sflag:s4] =	ssyncset.s32 $0xFFFFF086  }
0x25: {  	[simem:s6], [sflag:s4] =	dma.local [hbm:s3], $0xF7A  }
0x26: {  	[smem:$0x3F9D] =	sst s1;
	(tag) =	ssettag s2;
	_ =	strace s9  }
0x27: {  	s1 =	sld [smem:$0x3FAD]  }
0x28: {  	s2 =	sld [smem:$0x3FAE]  }
0x29: {  	s4 =	sld [smem:$0x3FB0]  }
0x2a: {  	p0 =	seq.s32 s5, $0x0;
	s5 =	sld [smem:$0x3FB1]  }
0x2b: {  	s6 =	sld [smem:$0x3FB2]  }
0x2c: {  	s7 =	sld [smem:$0x3FB3]  }
0x2d: {  	s3 =	simm.s32 $0x108;
	s8 =	sld [smem:$0x3FB4]  }
0x2e: {  	s3 =	simm.s32 @!p0 $0x1082;
	s9 =	sld [smem:$0x3FB5]  }
0x2f: {  	lr =	sadd.s32 s0, s3;
	s0 =	sld [smem:$0x3FAC]  }
0x30: {  	s3 =	sld [smem:$0x3FAF]  }
0x31: {  	[smem:$0x3FB8] =	sst s10  }
0x32: {  	s10 =	sld [smem:$0x3FB6];
	_ =	sdelay $0x3  }
0x33: {  	p0 =	seq.s32 s10, $0x1;
	s10 =	sld [smem:$0x3FB8];
	_ =	sdelay $0x3  }
0x34: {  	[smem:$0x3FB8] =	sst s10  }
0x35: {  	s10 =	sld [smem:$0x3FB7];
	_ =	sdelay $0x3  }
0x36: {  	p1 =	seq.s32 s10, $0x1;
	s10 =	sld [smem:$0x3FB8];
	_ =	sdelay $0x3  }
0x37: {  	[smem:$0x3FB8] =	sst s10  }
0x38: {  	s10 =	sld [smem:$0x3FB9]  }
0x39: {  	_ = 	snop;
	(pc) =	sbr.ind lr, $3  }
0x3a: {  	_ = 	snop  }
0x3b: {  	_ = 	snop  }
0x3c: {  	p2 =	seq.s32 s10, $0x1;
	s10 =	sld [smem:$0x3FB8]  }
0x3d: {  	_ =	shalt  }
0x3e: {  	_ =	shalt  }
0x3f: {  	_ =	shalt  }
0x40: {  	_ =	shalt  }
0x41: {  	_ =	shalt  }
0x42: {  	_ =	shalt  }
0x43: {  	_ =	shalt  }
0x44: {  	_ =	shalt  }
0x45: {  	_ =	shalt  }
0x46: {  	_ =	shalt  }
0x47: {  	_ =	shalt  }
0x48: {  	_ =	shalt  }
0x49: {  	_ =	shalt  }
0x4a: {  	_ =	shalt  }
0x4b: {  	_ =	shalt  }
0x4c: {  	_ =	shalt  }
0x4d: {  	_ =	shalt  }
0x4e: {  	_ =	shalt  }
0x4f: {  	_ =	shalt  }
0x50: {  	_ =	shalt  }
0x51: {  	_ =	shalt  }
0x52: {  	_ =	shalt  }
0x53: {  	_ =	shalt  }
0x54: {  	_ =	shalt  }
0x55: {  	_ =	shalt  }
0x56: {  	_ =	shalt  }
0x57: {  	_ =	shalt  }
0x58: {  	_ =	shalt  }
0x59: {  	_ =	shalt  }
0x5a: {  	_ =	shalt  }
0x5b: {  	_ =	shalt  }
0x5c: {  	_ =	shalt  }
0x5d: {  	_ =	shalt  }
0x5e: {  	_ =	shalt  }
0x5f: {  	_ =	shalt  }
0x60: {  	_ =	shalt  }
0x61: {  	_ =	shalt  }
0x62: {  	_ =	shalt  }
0x63: {  	_ =	shalt  }
0x64: {  	_ =	shalt  }
0x65: {  	_ =	shalt  }
0x66: {  	_ =	shalt  }
0x67: {  	_ =	shalt  }
0x68: {  	_ =	shalt  }
0x69: {  	_ =	shalt  }
0x6a: {  	_ =	shalt  }
0x6b: {  	_ =	shalt  }
0x6c: {  	_ =	shalt  }
0x6d: {  	_ =	shalt  }
0x6e: {  	_ =	shalt  }
0x6f: {  	_ =	shalt  }
0x70: {  	_ =	shalt  }
0x71: {  	_ =	shalt  }
0x72: {  	_ =	shalt  }
0x73: {  	_ =	shalt  }
0x74: {  	_ =	shalt  }
0x75: {  	_ =	shalt  }
0x76: {  	_ =	shalt  }
0x77: {  	_ =	shalt  }
0x78: {  	_ =	shalt  }
0x79: {  	_ =	shalt  }
0x7a: {  	_ =	shalt  }
0x7b: {  	_ =	shalt  }
0x7c: {  	_ =	shalt  }
0x7d: {  	_ =	shalt  }
0x7e: {  	_ =	shalt  }
0x7f: {  	_ =	shalt  }
0x80: {  	_ =	shalt  }
0x81: {  	_ =	shalt  }
0x82: {  	_ =	shalt  }
0x83: {  	_ =	shalt  }
0x84: {  	_ =	shalt  }
0x85: {  	_ =	shalt  }
0x86: {  	_ =	shalt  }
0x87: {  	_ =	shalt  }
.Lfunc_end0:
.L_simem_size_0:
called_computation_lowered:
.L_overlay_start_0:
0x88: {  	s2 =	sld [smem:$0x3FD9]  }
0x89: {  	s3 =	sld [smem:$0x3FFE];
	_ =	sdelay $0x1  }
0x8a: {  	s1 =	srdreg.scid  }
0x8b: {  	s0 =	sand.u32 $0x1, s1  }
0x8c: {  	s18 =	sshll.u32 s0, $0xA;
	s2 =	sadd.s32 s3, s2  }
0x8d: {  	s2 =	sadd.s32 s2, s18  }
0x8e: {  	[smem:$0x3FC4] =	sst s2  }
0x8f: {  	_ = 	snop  }
0x90: {  	s2 =	sld [smem:$0x3FC9]  }
0x91: {  	s19 =	sld [smem:$0x3FC8]  }
0x92: {  	s4 =	sld [smem:$0x3FC7]  }
0x93: {  	s5 =	sld [smem:$0x3FC6]  }
0x94: {  	s6 =	sld [smem:$0x3FD0];
	(tm) =	ssettm $0x1  }
0x95: {  	s7 =	sld [smem:$0x3FFB];
	_ =	sdelay $0x3  }
0x96: {  	_ =	strace s7  }
0x97: {  	s7 =	sld [smem:$0x3FFC];
	_ =	sdelay $0x3  }
0x98: {  	_ =	strace s7  }
0x99: {  	s7 =	sld [smem:$0x3FFD];
	_ =	sdelay $0x3  }
0x9a: {  	_ =	strace s7  }
0x9b: {  	_ =	strace $0x8FFFFFFF  }
0x9c: {  	s20 =	sld [smem:$0x3FDB];
	_ =	sdelay $0x1  }
0x9d: {  	s8 =	simm.s32 $_scs_section_size  }
0x9e: {  	s9 =	simm.s32 $_size__tile_overlayer_lowered;
	s10 =	simm.s32 $_tile_overlayer_lowered  }
0x9f: {  	s23 =	simm.s32 $0x1BFF;
	s22 =	sshll.u32 s10, $0x1;
	s7 =	sadd.s32 s8, s20  }
0xa0: {  	s11 =	simm.s32 $0x0;
	s21 =	sshll.u32 s9, $0x1;
	s9 =	sadd.s32 s22, s7  }
0xa1: {  	[timem:s11], [sflag:s23] =	dma.local [hbm:s9], s21  }
0xa2: {  	_ =	swait.ge [sflag:s23], s21  }
0xa3: {  	s8 =	ssub.s32 $0x0, s21;
	[sflag:s23] =	ssyncset.done $0x0  }
0xa4: {  	[sflag:s23] =	ssyncadd.s32 s8;
	_ =	sdelay $0x1  }
0xa5: {  	s24 =	simm.s32 $0x1B8B  }
0xa6: {  	_ =	swait.ge [sflag:s24], $0x1  }
0xa7: {  	[sflag:s24] =	ssyncset.done $0x0  }
0xa8: {  	s25 =	simm.s32 $0x1B8E;
	[sflag:s24] =	ssyncadd.s32 $0xFFFFFFFF  }
0xa9: {  	s26 =	simm.s32 $execute0_lowered;
	[smem:$0x3FD2] =	sst s25  }
0xaa: {  	s8 =	sshll.u32 s26, $0x1;
	_ =	strace $0x80000046;
	[dreg:$0x1] =	wrdreg $0xFFFFFFFF  }
0xab: {  	s28 =	simm.s32 $_size_execute0_lowered;
	s7 =	sadd.s32 s7, s8;
	[dreg:$0x0] =	wrdreg $0x0  }
0xac: {  	s8 =	sshll.u32 s28, $0x1;
	[dreg:$0x2] =	wrdreg s7  }
0xad: {  	[dreg:$0x3] =	wrdreg s8  }
0xae: {  	[dreg:$0x4] =	wrdreg $0xC0  }
0xaf: {  	_ =	task [dreg:s11], $0x5FFFF  }
0xb0: {  	[dreg:$0x1] =	wrdreg $0xFFFFFFFF  }
0xb1: {  	[dreg:$0x0] =	wrdreg $0x60  }
0xb2: {  	[dreg:$0x2] =	wrdreg s2  }
0xb3: {  	[dreg:$0x3] =	wrdreg s19  }
0xb4: {  	[dreg:$0x4] =	wrdreg s4  }
0xb5: {  	[dreg:$0x5] =	wrdreg s5  }
0xb6: {  	[dreg:$0x6] =	wrdreg s6  }
0xb7: {  	[dreg:$0x7] =	wrdreg $0x1DC000  }
0xb8: {  	[dreg:$0x8] =	wrdreg $0x9  }
0xb9: {  	_ =	task.clear_ibuf [dreg:s11], $0x9FFFF;
	_ =	strace $0x90000046  }
0xba: {  	s29 =	simm.s32 $0x9;
	_ =	strace $0x80000048  }
0xbb: {  	_ =	swait.ge [sflag:s29], $0x1  }
0xbc: {  	[sflag:s29] =	ssyncadd.s32 $0xFFFFFFFF  }
0xbd: {  	_ =	strace $0x90000048  }
0xbe: {  	_ =	sfence  }
0xbf: {  	s30 =	sld [smem:$0x0];
	_ =	sdelay $0x2  }
0xc0: {  	s31 =	sshll.u32 s1, $0xD;
	s1 =	sshrl.u32 s1, $0x2  }
0xc1: {  	s3 =	sand.u32 $0x4000, s31;
	s1 =	sadd.s32 s1, s30  }
0xc2: {  	s0 =	sor.u32 s3, s0;
	s1 =	sshll.u32 s1, $0x11  }
0xc3: {  	s0 =	sor.u32 s1, s0  }
0xc4: {  	s0 =	sadd.s32 $0x8F2B, s0  }
0xc5: {  	[sflag:s0] =	ssyncadd.remote.s32 $0x1  }
0xc6: {  	_ =	sfence.sel $0xFFFF  }
0xc7: {  	[dreg:$0x0] =	wrdreg $0xFFFFFFFF;
	(pc) =	sbr.abs _section_cstart, $3  }
0xc8: {  	[dreg:$0x1] =	wrdreg $0xFFFFFFFF  }
0xc9: {  	_ =	task.clear_ibuf [dreg:s11], $0x2FFFF;
	_ =	strace $0x9FFFFFFF  }
0xca: {  	(tm) =	ssettm $0x7FFFFFFF  }
0xcb: {  	_ =	shalt  }
tec
execute0_lowered:
.L_overlay_start_1:
0x0: {  	(tag) =	ssettag $0x1  }
0x1: {  	s0 =	rddreg [dreg:$0x1]  }
0x2: {  	s1 =	rddreg [dreg:$0x3]  }
0x3: {  	s2 =	rddreg [dreg:$0x4]  }
0x4: {  	s10 =	rddreg [dreg:$0x5];
	s4 =	simm.s32 $0x0;
	s3 =	srdreg.scid  }
0x5: {  	s9 =	stileid.u32;
	[smem:$0x7FF] =	sst s4;
	s3 =	sand.u32 $0x1, s3  }
0x6: {  	s24 =	sshrl.u32 s9, $0x3;
	s6 =	sshll.u32 s9, $0x7;
	s25 =	sshll.u32 s9, $0x1  }
0x7: {  	s28 =	sshll.u32 s9, $0x8;
	s5 =	ssub.s32 $0x2, s3;
	s7 =	smul.u32 $0xC3800, s24  }
0x8: {  	_ =	strace $0x80000047;
	s6 =	sand.u32 $0x380, s6;
	s3 =	sshll.u32 s3, $0x5  }
0x9: {  	s4 =	sshll.u32 s24, $0xD;
	s8 =	sshrl.u32 s5, $0x1;
	s7 =	sor.u32 s6, s7  }
0xa: {  	s3 =	sor.u32 s25, s3;
	s5 =	ssub.s32 s5, s8;
	s7 =	sshrl.u32 s7, $0x3  }
0xb: {  	s8 =	sor.u32 $0x18B00, s4;
	s26 =	sshrl.u32 s3, $0x3;
	s0 =	sadd.s32 s0, s7  }
0xc: {  	s17 =	smax.u32 s5, $0x1;
	[dreg:$0x7] =	wrdreg s0;
	s0 =	sor.u32 s6, s4  }
0xd: {  	s30 =	sor.u32 $0x1, s3;
	[dreg:$0xd] =	wrdreg s17;
	s11 =	sadd.s32 $0x18B00, s0  }
0xe: {  	v1 =	vmov s3;
	s3 =	simm.s32 $0x1CB00;
	s18 =	sadd.s32 $0x18F00, s0;
	[dreg:$0x9] =	wrdreg s11  }
0xf: {  	s29 =	smul.u32 $0xC3800, s26;
	s20 =	sadd.s32 $0x19300, s0;
	[dreg:$0xe] =	wrdreg s18  }
0x10: {  	s31 =	sshll.u32 s30, $0x7;
	s22 =	sadd.s32 $0x19700, s0;
	[dreg:$0x10] =	wrdreg s20  }
0x11: {  	s7 =	sand.u32 $0x300, s28;
	s24 =	sadd.s32 $0x19B00, s0;
	[dreg:$0x12] =	wrdreg s22  }
0x12: {  	s12 =	sor.u32 s7, s29;
	s25 =	sadd.s32 $0x19F00, s0;
	[dreg:$0x14] =	wrdreg s24  }
0x13: {  	s4 =	sshll.u32 s26, $0xD;
	s26 =	sadd.s32 $0x1A300, s0;
	[dreg:$0x15] =	wrdreg s25  }
0x14: {  	s13 =	sadd.s32 s0, s10;
	s0 =	sadd.s32 $0x1A700, s0;
	[dreg:$0x16] =	wrdreg s26  }
0x15: {  	v0 =	vimm.s32 $0x500;
	vm0 =	vcmask $0x300;
	s5 =	simm.s32 $0x1D300;
	s12 =	sshrl.u32 s12, $0x3;
	[dreg:$0x17] =	wrdreg s0  }
0x16: {  	vm7 =	vcmask $0x704;
	v0 =	vsel vm0, $0x0, v0;
	s4 =	sor.u32 s7, s4;
	s14 =	sadd.s32 s1, s12;
	[dreg:$0x8] =	wrdreg s13  }
0x17: {  	vm8 =	vcmask $0xB08;
	v0 =	vsel vm7, $0x80, v0;
	s10 =	simm.s32 $0x1;
	s19 =	sadd.s32 $0x400, s13;
	[dreg:$0xa] =	wrdreg s14  }
0x18: {  	vm9 =	vcmask $0xF0C;
	v0 =	vsel vm8, $0x100, v0;
	s7 =	simm.s32 $0x1D380;
	s21 =	sadd.s32 $0x800, s13;
	[dreg:$0xf] =	wrdreg s19  }
0x19: {  	vm10 =	vcmask $0x1310;
	v0 =	vsel vm9, $0x180, v0;
	s11 =	sand.u32 $0x380, s31;
	s23 =	sadd.s32 $0xC00, s13;
	[dreg:$0x11] =	wrdreg s21  }
0x1a: {  	vm11 =	vcmask $0x1714;
	v0 =	vsel vm10, $0x200, v0;
	s4 =	sshrl.u32 s4, $0x3;
	s28 =	sadd.s32 $0x1000, s13;
	[dreg:$0x13] =	wrdreg s23  }
0x1b: {  	vm12 =	vcmask $0x1B18;
	v2 =	vmov s30;
	v0 =	vsel vm11, $0x280, v0;
	s30 =	sadd.s32 $0x1800, s13;
	s31 =	sadd.s32 $0x1C00, s13;
	[dreg:$0x18] =	wrdreg s28  }
0x1c: {  	vm13 =	vcmask $0x1F1C;
	v0 =	vsel vm12, $0x300, v0;
	s0 =	simm.s32 $0x400;
	s9 =	sor.u32 s29, s11;
	[dreg:$0x1a] =	wrdreg s30  }
0x1d: {  	vm14 =	vcmask $0x2320;
	vm15 =	vcmask $0x2724;
	v0 =	vsel vm13, $0x380, v0;
	s16 =	sadd.s32 s2, s4;
	s29 =	sadd.s32 $0x1400, s13;
	[dreg:$0x1b] =	wrdreg s31  }
0x1e: {  	v1 =	vbroadcast v1, $0x0;
	v2 =	vbroadcast v2, $0x0;
	v0 =	vsel vm14, $0x400, v0;
	s4 =	simm.s32 $0x80;
	s15 =	sshrl.u32 s9, $0x3;
	[dreg:$0xc] =	wrdreg s16  }
0x1f: {  	s14 =	simm.s32 $0x2;
	v3 =	vsel vm15, $0x480, v0;
	[dreg:$0x19] =	wrdreg s29;
	s1 =	sadd.s32 s1, s15  }
0x20: {  	s19 =	simm.s32 $0x4;
	s2 =	simm.s32 $0x0;
	v0 =	vor.u32 v3, v1;
	v1 =	vor.u32 v3, v2;
	[dreg:$0xb] =	wrdreg s1  }
.LBB2_1:
0x21: {  	[dreg:$0x1c] =	wrdreg s2  }
0x22: {  	s1 =	rddreg [dreg:$0x0];
	s29 =	simm.s32 $0x0  }
0x23: {  	[tilespmem:s29], [sflag:$0x1] =	stream.linear.gather [hbm4b:s1+s29], $0x400, $0x38;
	[tilespmem:$0x1E000] =	vst v63  }
0x24: {  	s30 =	rddreg [dreg:$0x2]  }
0x25: {  	[tilespmem:s3], [sflag:$0x3] =	stream.linear.gather [hbm4b:s30+s29], $0x580, $0x38;
	[tilespmem:$0x1E000] =	vst v63  }
0x26: {  	s31 =	rddreg [dreg:$0x7]  }
0x27: {  	[tilespmem:s0], [sflag:$0x2] =	stream.strided.gather [hbm4b:s31+s4], $0x18700, s0, s4, $0x38;
	[tilespmem:$0x1E000] =	vst v63  }
0x28: {  	_ =	swait.ge [sflag:s10], $0x400  }
0x29: {  	[sflag:s10] =	ssyncset.done $0x0  }
0x2a: {  	[sflag:s10] =	ssyncadd.s32 $0xFFFFFC00  }
0x2b: {  	_ =	swait.ge [sflag:s14], $0x18700  }
0x2c: {  	s9 =	simm.s32 $0xFFFFFFFC;
	s11 =	simm.s32 $0x0;
	[sflag:s14] =	ssyncset.done $0x0  }
0x2d: {  	s12 =	simm.s32 $0x0;
	s13 =	simm.s32 $0x0;
	[sflag:s14] =	ssyncadd.s32 $0xFFFE7900  }
.LBB2_2:
0x2e: {  	v2 =	vld [tilespmem:s11+$0x0];
	_ =	sdelay $0x7  }
0x2f: {  	v2 =	vld.idx.msk [tilespmem:v2+s0+$0x0], $0xffff;
	_ =	sdelay $0x3  }
0x30: {  	s14 =	sand.u32 $0x1C00, s13  }
0x31: {  	s14 =	sadd.s32 s14, s8;
	v2 =	vtrunc.f32 v2  }
0x32: {  	s15 =	sand.u32 $0x40, s12;
	s14 =	sadd.s32 s6, s14;
	v2 =	vcvt.f32.s32 v2  }
0x33: {  	s18 =	sand.u32 $0x380, s12;
	s17 =	sor.u32 $0x10, s15;
	s16 =	sadd.s32 s15, s14  }
0x34: {  	s25 =	sor.u32 s17, s18;
	[tilespmem:s16+$0x0] =	vst v2  }
0x35: {  	v2 =	vld [tilespmem:s25+$0x0];
	_ =	sdelay $0x7  }
0x36: {  	v2 =	vld.idx.msk [tilespmem:v2+s0+$0x0], $0xffff;
	_ =	sdelay $0x4  }
0x37: {  	v2 =	vtrunc.f32 v2  }
0x38: {  	v2 =	vcvt.f32.s32 v2  }
0x39: {  	s28 =	sor.u32 $0x20, s15;
	s26 =	sadd.s32 s17, s14  }
0x3a: {  	s29 =	sor.u32 s28, s18;
	[tilespmem:s26+$0x0] =	vst v2  }
0x3b: {  	v2 =	vld [tilespmem:s29+$0x0];
	_ =	sdelay $0x7  }
0x3c: {  	v2 =	vld.idx.msk [tilespmem:v2+s0+$0x0], $0xffff;
	_ =	sdelay $0x4  }
0x3d: {  	v2 =	vtrunc.f32 v2  }
0x3e: {  	v2 =	vcvt.f32.s32 v2  }
0x3f: {  	s30 =	sadd.s32 s28, s14;
	s15 =	sor.u32 $0x30, s15  }
0x40: {  	s31 =	sor.u32 s15, s18;
	[tilespmem:s30+$0x0] =	vst v2  }
0x41: {  	v2 =	vld [tilespmem:s31+$0x0];
	_ =	sdelay $0x7  }
0x42: {  	v2 =	vld.idx.msk [tilespmem:v2+s0+$0x0], $0xffff;
	_ =	sdelay $0x1  }
0x43: {  	s9 =	sadd.s32 $0x4, s9  }
0x44: {  	p0 =	slt.u32 s9, $0x3C  }
.Ltmp0:
0x45: {  	_ = 	snop;
	(pc) =	sbr.rel @p0 .LBB2_2-.Ltmp0, $4  }
0x46: {  	v2 =	vtrunc.f32 v2  }
0x47: {  	v2 =	vcvt.f32.s32 v2  }
0x48: {  	s14 =	sadd.s32 s15, s14  }
0x49: {  	s13 =	sadd.s32 $0x200, s13;
	s12 =	sadd.s32 $0x40, s12;
	s11 =	sadd.s32 $0x40, s11;
	[tilespmem:s14+$0x0] =	vst v2  }
0x4a: {  	s1 =	rddreg [dreg:$0x8]  }
0x4b: {  	s2 =	rddreg [dreg:$0x9]  }
0x4c: {  	s12 =	rddreg [dreg:$0xe]  }
0x4d: {  	s13 =	rddreg [dreg:$0xf]  }
0x4e: {  	s14 =	rddreg [dreg:$0x10]  }
0x4f: {  	s15 =	rddreg [dreg:$0x11]  }
0x50: {  	s16 =	rddreg [dreg:$0x12]  }
0x51: {  	s17 =	rddreg [dreg:$0x13]  }
0x52: {  	s18 =	rddreg [dreg:$0x14]  }
0x53: {  	[spmem:s1] =	stream.linear.scatter [tilespmem:s2], [sflag:$0x4], $0x80, $0x38;
	[tilespmem:$0x1E000] =	vst v63  }
0x54: {  	s20 =	rddreg [dreg:$0x18]  }
0x55: {  	[spmem:s13] =	stream.linear.scatter [tilespmem:s12], [sflag:$0x4], $0x80, $0x38;
	[tilespmem:$0x1E000] =	vst v63  }
0x56: {  	s21 =	rddreg [dreg:$0x15]  }
0x57: {  	[spmem:s15] =	stream.linear.scatter [tilespmem:s14], [sflag:$0x4], $0x80, $0x38;
	[tilespmem:$0x1E000] =	vst v63  }
0x58: {  	s22 =	rddreg [dreg:$0x19]  }
0x59: {  	[spmem:s17] =	stream.linear.scatter [tilespmem:s16], [sflag:$0x4], $0x80, $0x38;
	[tilespmem:$0x1E000] =	vst v63  }
0x5a: {  	s23 =	rddreg [dreg:$0x16]  }
0x5b: {  	[spmem:s20] =	stream.linear.scatter [tilespmem:s18], [sflag:$0x4], $0x80, $0x38;
	[tilespmem:$0x1E000] =	vst v63  }
0x5c: {  	s24 =	rddreg [dreg:$0x1a]  }
0x5d: {  	[spmem:s22] =	stream.linear.scatter [tilespmem:s21], [sflag:$0x4], $0x80, $0x38;
	[tilespmem:$0x1E000] =	vst v63  }
0x5e: {  	s25 =	rddreg [dreg:$0x17]  }
0x5f: {  	[spmem:s24] =	stream.linear.scatter [tilespmem:s23], [sflag:$0x4], $0x80, $0x38;
	[tilespmem:$0x1E000] =	vst v63  }
0x60: {  	s26 =	rddreg [dreg:$0x1b]  }
0x61: {  	[spmem:s26] =	stream.linear.scatter [tilespmem:s25], [sflag:$0x4], $0x80, $0x38;
	[tilespmem:$0x1E000] =	vst v63  }
0x62: {  	_ =	swait.ge [sflag:s19], $0x400  }
0x63: {  	[sflag:s19] =	ssyncset.done $0x0  }
0x64: {  	s28 =	rddreg [dreg:$0xa];
	[sflag:s19] =	ssyncadd.s32 $0xFFFFFC00  }
0x65: {  	[tilespmem:s0], [sflag:$0x1] =	stream.strided.gather [hbm4b:s28+s4], $0x18700, s0, s4, $0x38;
	[tilespmem:$0x1E000] =	vst v63  }
0x66: {  	[bflag:$0x0] =	sbarrier.arrive $0xFFFF  }
0x67: {  	s30 =	simm.s32 $0x18B00;
	s29 =	rddreg [dreg:$0x5]  }
0x68: {  	[tilespmem:s30], [sflag:$0x4] =	stream.linear.gather [spmem:s29], $0x4000, $0x38;
	[tilespmem:$0x1E000] =	vst v63  }
0x69: {  	_ =	swait.ge [sflag:s19], $0x4000  }
0x6a: {  	[sflag:s19] =	ssyncset.done $0x0  }
0x6b: {  	s31 =	simm.s32 $0x3;
	[sflag:s19] =	ssyncadd.s32 $0xFFFFC000  }
0x6c: {  	_ =	swait.ge [sflag:s31], $0x580  }
0x6d: {  	[sflag:s31] =	ssyncset.done $0x0  }
0x6e: {  	[sflag:s31] =	ssyncadd.s32 $0xFFFFFA80  }
0x6f: {  	v2 =	vld.idx.msk [tilespmem:v0+s3+$0x0], $0xffff  }
0x70: {  	v3 =	vld.idx.msk [tilespmem:v1+s3+$0x0], $0xffff;
	_ =	sdelay $0x3  }
0x71: {  	v2 =	vmul.f32 $1.442695020e+00, v2  }
0x72: {  	v3 =	vmul.f32 $1.442695020e+00, v3  }
0x73: {  	(erf) = vpow2.f32 v2  }
0x74: {  	(erf) = vpow2.f32 v3;
	_ =	sdelay $0x7  }
0x75: {  	v2 =	vpop (erf)  }
0x76: {  	v3 =	vpop (erf);
	[tilespmem:$0x1D300] =	vst v2  }
0x77: {  	[tilespmem:$0x1D380] =	vst v3  }
0x78: {  	_ =	swait.ge [sflag:s10], $0x18700  }
0x79: {  	s9 =	simm.s32 $0xFFFFFFFC;
	s11 =	simm.s32 $0x0;
	[sflag:s10] =	ssyncset.done $0x0  }
0x7a: {  	s12 =	simm.s32 $0x0;
	s13 =	simm.s32 $0x0;
	[sflag:s10] =	ssyncadd.s32 $0xFFFE7900  }
.LBB2_4:
0x7b: {  	v2 =	vld [tilespmem:s11+$0x0];
	_ =	sdelay $0x7  }
0x7c: {  	v2 =	vld.idx.msk [tilespmem:v2+s0+$0x0], $0xffff;
	_ =	sdelay $0x3  }
0x7d: {  	s14 =	sand.u32 $0x700, s13  }
0x7e: {  	s15 =	sand.u32 $0x40, s12;
	s14 =	sadd.s32 $0x1D400, s14;
	v2 =	vmul.f32 $8.999999760e-01, v2  }
0x7f: {  	s18 =	sand.u32 $0x380, s12;
	s17 =	sor.u32 $0x10, s15;
	s16 =	sor.u32 s15, s14  }
0x80: {  	s25 =	sor.u32 s17, s18;
	[tilespmem:s16+$0x0] =	vst v2  }
0x81: {  	v2 =	vld [tilespmem:s25+$0x0];
	_ =	sdelay $0x7  }
0x82: {  	v2 =	vld.idx.msk [tilespmem:v2+s0+$0x0], $0xffff;
	_ =	sdelay $0x4  }
0x83: {  	v2 =	vmul.f32 $8.999999760e-01, v2  }
0x84: {  	s28 =	sor.u32 $0x20, s15;
	s26 =	sor.u32 s17, s14  }
0x85: {  	s29 =	sor.u32 s28, s18;
	[tilespmem:s26+$0x0] =	vst v2  }
0x86: {  	v2 =	vld [tilespmem:s29+$0x0];
	_ =	sdelay $0x7  }
0x87: {  	v2 =	vld.idx.msk [tilespmem:v2+s0+$0x0], $0xffff;
	_ =	sdelay $0x4  }
0x88: {  	v2 =	vmul.f32 $8.999999760e-01, v2  }
0x89: {  	s30 =	sor.u32 s28, s14;
	s15 =	sor.u32 $0x30, s15  }
0x8a: {  	s31 =	sor.u32 s15, s18;
	[tilespmem:s30+$0x0] =	vst v2  }
0x8b: {  	v2 =	vld [tilespmem:s31+$0x0];
	_ =	sdelay $0x7  }
0x8c: {  	v2 =	vld.idx.msk [tilespmem:v2+s0+$0x0], $0xffff  }
0x8d: {  	s9 =	sadd.s32 $0x4, s9  }
0x8e: {  	p0 =	slt.u32 s9, $0x3C  }
.Ltmp1:
0x8f: {  	_ = 	snop;
	(pc) =	sbr.rel @p0 .LBB2_4-.Ltmp1, $4  }
0x90: {  	_ = 	snop  }
0x91: {  	v2 =	vmul.f32 $8.999999760e-01, v2  }
0x92: {  	s14 =	sor.u32 s15, s14  }
0x93: {  	s13 =	sadd.s32 $0x80, s13;
	s12 =	sadd.s32 $0x40, s12;
	s11 =	sadd.s32 $0x40, s11;
	[tilespmem:s14+$0x0] =	vst v2  }
0x94: {  	s1 =	rddreg [dreg:$0xb];
	s9 =	simm.s32 $0x0  }
0x95: {  	[tilespmem:s0], [sflag:$0x2] =	stream.strided.gather [hbm4b:s1+s4], $0x18700, s0, s4, $0x38;
	[tilespmem:$0x1E000] =	vst v63  }
0x96: {  	s11 =	simm.s32 $0x0;
	s9 =	sand.u32 $0x3FFFFC00, s9  }
0x97: {  	s13 =	sand.u32 $0x60, s11;
	s12 =	sadd.s32 $0x18B00, s9  }
0x98: {  	s14 =	sor.u32 s13, s12  }
0x99: {  	v2 =	vld [tilespmem:s14+$0x100]  }
0x9a: {  	v3 =	vld [tilespmem:s14+$0x80]  }
0x9b: {  	v4 =	vld [tilespmem:s14+$0x200]  }
0x9c: {  	v5 =	vld [tilespmem:s14+$0x0]  }
0x9d: {  	v6 =	vld [tilespmem:s14+$0x180]  }
0x9e: {  	v7 =	vld [tilespmem:s14+$0x380]  }
0x9f: {  	s15 =	sadd.s32 $0x1AB00, s9;
	v8 =	vld [tilespmem:s14+$0x300]  }
0xa0: {  	s16 =	sadd.s32 $0x1AB80, s9;
	s29 =	sor.u32 s13, s15;
	v9 =	vld [tilespmem:s14+$0x280]  }
0xa1: {  	s18 =	sadd.s32 $0x1AC00, s9;
	s30 =	sor.u32 s13, s16;
	v14 =	vld [tilespmem:s29+$0x0]  }
0xa2: {  	s17 =	sadd.s32 $0x1AC80, s9;
	s31 =	sor.u32 s13, s18;
	v16 =	vld [tilespmem:s30+$0x0]  }
0xa3: {  	s19 =	sadd.s32 $0x1AD00, s9;
	s1 =	sor.u32 s13, s17;
	v18 =	vld [tilespmem:s31+$0x0]  }
0xa4: {  	s21 =	sadd.s32 $0x1AD80, s9;
	s2 =	sor.u32 s13, s19;
	v24 =	vld [tilespmem:s1+$0x0]  }
0xa5: {  	s20 =	sadd.s32 $0x1AE00, s9;
	s3 =	sor.u32 s13, s21;
	v26 =	vld [tilespmem:s2+$0x0]  }
0xa6: {  	s23 =	sor.u32 s13, s20;
	v48 =	vld [tilespmem:s3+$0x0]  }
0xa7: {  	v49 =	vld [tilespmem:s23+$0x0]  }
0xa8: {  	v10 =	vld.idx.msk [tilespmem:v2+s5+$0x0], $0xffff  }
0xa9: {  	v11 =	vld.idx.msk [tilespmem:v3+s5+$0x0], $0xffff  }
0xaa: {  	v3 =	vld.idx.msk [tilespmem:v3+s7+$0x0], $0xffff  }
0xab: {  	v17 =	vld.idx.msk [tilespmem:v5+s5+$0x0], $0xffff  }
0xac: {  	v5 =	vld.idx.msk [tilespmem:v5+s7+$0x0], $0xffff  }
0xad: {  	v13 =	vld.idx.msk [tilespmem:v6+s7+$0x0], $0xffff  }
0xae: {  	v2 =	vld.idx.msk [tilespmem:v2+s7+$0x0], $0xffff  }
0xaf: {  	v6 =	vld.idx.msk [tilespmem:v6+s5+$0x0], $0xffff  }
0xb0: {  	v12 =	vld.idx.msk [tilespmem:v4+s5+$0x0], $0xffff;
	v20 =	vadd.f32 v11, v17  }
0xb1: {  	v15 =	vld.idx.msk [tilespmem:v9+s7+$0x0], $0xffff;
	v22 =	vadd.f32 v3, v5  }
0xb2: {  	v4 =	vld.idx.msk [tilespmem:v4+s7+$0x0], $0xffff;
	v20 =	vadd.f32 v10, v20  }
0xb3: {  	v9 =	vld.idx.msk [tilespmem:v9+s5+$0x0], $0xffff;
	v22 =	vadd.f32 v2, v22  }
0xb4: {  	v19 =	vld.idx.msk [tilespmem:v14+s7+$0x0], $0xffff;
	v20 =	vadd.f32 v6, v20  }
0xb5: {  	v23 =	vld.idx.msk [tilespmem:v8+s5+$0x0], $0xffff;
	v22 =	vadd.f32 v13, v22  }
0xb6: {  	v8 =	vld.idx.msk [tilespmem:v8+s7+$0x0], $0xffff;
	v20 =	vadd.f32 v12, v20  }
0xb7: {  	v25 =	vld.idx.msk [tilespmem:v7+s5+$0x0], $0xffff;
	v22 =	vadd.f32 v4, v22  }
0xb8: {  	s22 =	sadd.s32 $0x1AE80, s9;
	v7 =	vld.idx.msk [tilespmem:v7+s7+$0x0], $0xffff;
	v17 =	vmul.f32 v17, v17;
	v11 =	vmul.f32 v11, v11;
	v20 =	vadd.f32 v9, v20  }
0xb9: {  	s9 =	sor.u32 s13, s22;
	v14 =	vld.idx.msk [tilespmem:v14+s5+$0x0], $0xffff;
	v3 =	vmul.f32 v3, v3;
	v5 =	vmul.f32 v5, v5;
	v47 =	vadd.f32 v15, v22  }
0xba: {  	v53 =	vld [tilespmem:s9+$0x0];
	v11 =	vadd.f32 v11, v17;
	v10 =	vmul.f32 v10, v10;
	v46 =	vadd.f32 v23, v20  }
0xbb: {  	v21 =	vld.idx.msk [tilespmem:v16+s5+$0x0], $0xffff;
	v3 =	vadd.f32 v3, v5;
	v2 =	vmul.f32 v2, v2;
	v50 =	vadd.f32 v8, v47  }
0xbc: {  	v16 =	vld.idx.msk [tilespmem:v16+s7+$0x0], $0xffff;
	v6 =	vmul.f32 v6, v6;
	v10 =	vadd.f32 v10, v11;
	v17 =	vadd.f32 v25, v46  }
0xbd: {  	v51 =	vld.idx.msk [tilespmem:v18+s5+$0x0], $0xffff;
	v13 =	vmul.f32 v13, v13;
	v2 =	vadd.f32 v2, v3;
	v5 =	vadd.f32 v7, v50  }
0xbe: {  	v54 =	vld.idx.msk [tilespmem:v18+s7+$0x0], $0xffff;
	v52 =	vmul.f32 v12, v12;
	v6 =	vadd.f32 v6, v10;
	v17 =	vadd.f32 v14, v17  }
0xbf: {  	v3 =	vld.idx.msk [tilespmem:v24+s5+$0x0], $0xffff;
	v2 =	vadd.f32 v13, v2;
	v4 =	vmul.f32 v4, v4;
	v5 =	vadd.f32 v19, v5  }
0xc0: {  	v57 =	vld.idx.msk [tilespmem:v24+s7+$0x0], $0xffff;
	v9 =	vmul.f32 v9, v9;
	v6 =	vadd.f32 v52, v6;
	v17 =	vadd.f32 v21, v17  }
0xc1: {  	v55 =	vld.idx.msk [tilespmem:v26+s5+$0x0], $0xffff;
	v58 =	vmul.f32 v15, v15;
	v2 =	vadd.f32 v4, v2;
	v5 =	vadd.f32 v16, v5  }
0xc2: {  	v61 =	vld.idx.msk [tilespmem:v26+s7+$0x0], $0xffff;
	v56 =	vmul.f32 v23, v23;
	v6 =	vadd.f32 v9, v6;
	v17 =	vadd.f32 v51, v17  }
0xc3: {  	v59 =	vld.idx.msk [tilespmem:v48+s5+$0x0], $0xffff;
	v62 =	vmul.f32 v8, v8;
	v2 =	vadd.f32 v58, v2;
	v5 =	vadd.f32 v54, v5  }
0xc4: {  	v60 =	vmul.f32 v25, v25;
	v22 =	vld.idx.msk [tilespmem:v48+s7+$0x0], $0xffff;
	v6 =	vadd.f32 v56, v6;
	v17 =	vadd.f32 v3, v17  }
0xc5: {  	v63 =	vld.idx.msk [tilespmem:v49+s5+$0x0], $0xffff;
	v7 =	vmul.f32 v7, v7;
	v2 =	vadd.f32 v62, v2;
	v5 =	vadd.f32 v57, v5  }
0xc6: {  	v11 =	vld.idx.msk [tilespmem:v49+s7+$0x0], $0xffff;
	v6 =	vadd.f32 v60, v6;
	v14 =	vmul.f32 v14, v14;
	v17 =	vadd.f32 v55, v17  }
0xc7: {  	v26 =	vmul.f32 v19, v19;
	v24 =	vld.idx.msk [tilespmem:v53+s5+$0x0], $0xffff;
	v2 =	vadd.f32 v7, v2;
	v5 =	vadd.f32 v61, v5  }
0xc8: {  	v12 =	vld.idx.msk [tilespmem:v53+s7+$0x0], $0xffff;
	v21 =	vmul.f32 v21, v21;
	v6 =	vadd.f32 v14, v6;
	v25 =	vadd.f32 v59, v17  }
0xc9: {  	v2 =	vadd.f32 v26, v2;
	v16 =	vmul.f32 v16, v16;
	v5 =	vadd.f32 v22, v5  }
0xca: {  	v27 =	vmul.f32 v51, v51;
	v6 =	vadd.f32 v21, v6;
	v14 =	vadd.f32 v63, v25  }
0xcb: {  	v10 =	vmul.f32 v54, v54;
	v2 =	vadd.f32 v16, v2;
	v5 =	vadd.f32 v11, v5  }
0xcc: {  	v6 =	vadd.f32 v27, v6;
	v3 =	vmul.f32 v3, v3;
	v28 =	vadd.f32 v24, v14  }
0xcd: {  	v29 =	vmul.f32 v57, v57;
	v2 =	vadd.f32 v10, v2;
	v5 =	vadd.f32 v12, v5  }
0xce: {  	v13 =	vmul.f32 v55, v55;
	v3 =	vadd.f32 v3, v6;
	(erf) = vrcp.f32 v28  }
0xcf: {  	v31 =	vmul.f32 v61, v61;
	v2 =	vadd.f32 v29, v2;
	(erf) = vrcp.f32 v5  }
0xd0: {  	v30 =	vmul.f32 v59, v59;
	v3 =	vadd.f32 v13, v3  }
0xd1: {  	v33 =	vmul.f32 v22, v22;
	v2 =	vadd.f32 v31, v2  }
0xd2: {  	v32 =	vmul.f32 v63, v63;
	v3 =	vadd.f32 v30, v3  }
0xd3: {  	s4 =	simm.s32 $0x0;
	v34 =	vmul.f32 v11, v11;
	v2 =	vadd.f32 v33, v2  }
0xd4: {  	s9 =	sand.u32 $0x3FFFFF00, s4;
	v4 =	vmul.f32 v24, v24;
	v3 =	vadd.f32 v32, v3  }
0xd5: {  	s10 =	sadd.s32 $0x1D400, s9;
	v35 =	vmul.f32 v12, v12;
	v2 =	vadd.f32 v34, v2  }
0xd6: {  	s9 =	sor.u32 s13, s10;
	v3 =	vadd.f32 v4, v3  }
0xd7: {  	v36 =	vld [tilespmem:s9+$0x0];
	v2 =	vadd.f32 v35, v2;
	v37 =	vpop (erf)  }
0xd8: {  	v3 =	vmul.f32 v37, v3;
	v38 =	vpop (erf)  }
0xd9: {  	v2 =	vmul.f32 v38, v2  }
0xda: {  	v3 =	vmul.f32 $1.000000010e-01, v3  }
0xdb: {  	v2 =	vmul.f32 $1.000000010e-01, v2  }
0xdc: {  	v3 =	vadd.f32 v3, v36  }
0xdd: {  	s13 =	sor.u32 $0x10, s13;
	[tilespmem:s9+$0x80] =	vst v2  }
0xde: {  	s18 =	sor.u32 s13, s18;
	[tilespmem:s9+$0x0] =	vst v3  }
0xdf: {  	s23 =	sor.u32 s13, s15;
	v2 =	vld [tilespmem:s18+$0x0]  }
0xe0: {  	s24 =	sor.u32 s13, s16;
	v3 =	vld [tilespmem:s23+$0x0]  }
0xe1: {  	s25 =	sor.u32 s13, s12;
	v39 =	vld [tilespmem:s24+$0x0]  }
0xe2: {  	v40 =	vld [tilespmem:s25+$0x380]  }
0xe3: {  	v41 =	vld [tilespmem:s25+$0x300]  }
0xe4: {  	v42 =	vld [tilespmem:s25+$0x200]  }
0xe5: {  	v43 =	vld [tilespmem:s25+$0x280]  }
0xe6: {  	v44 =	vld [tilespmem:s25+$0x180]  }
0xe7: {  	v45 =	vld [tilespmem:s25+$0x0]  }
0xe8: {  	v46 =	vld [tilespmem:s25+$0x80]  }
0xe9: {  	s26 =	sor.u32 s13, s21;
	v47 =	vld [tilespmem:s25+$0x100]  }
0xea: {  	s28 =	sor.u32 s13, s17;
	v48 =	vld [tilespmem:s26+$0x0]  }
0xeb: {  	s29 =	sor.u32 s13, s19;
	v49 =	vld [tilespmem:s28+$0x0]  }
0xec: {  	s30 =	sor.u32 s13, s20;
	v50 =	vld [tilespmem:s29+$0x0]  }
0xed: {  	s31 =	sor.u32 s13, s22;
	v51 =	vld [tilespmem:s30+$0x0]  }
0xee: {  	v52 =	vld [tilespmem:s31+$0x0]  }
0xef: {  	v53 =	vld.idx.msk [tilespmem:v45+s5+$0x0], $0xffff  }
0xf0: {  	v54 =	vld.idx.msk [tilespmem:v46+s7+$0x0], $0xffff  }
0xf1: {  	v11 =	vld.idx.msk [tilespmem:v46+s5+$0x0], $0xffff  }
0xf2: {  	v10 =	vld.idx.msk [tilespmem:v45+s7+$0x0], $0xffff  }
0xf3: {  	v55 =	vld.idx.msk [tilespmem:v47+s5+$0x0], $0xffff  }
0xf4: {  	v12 =	vld.idx.msk [tilespmem:v47+s7+$0x0], $0xffff  }
0xf5: {  	v56 =	vld.idx.msk [tilespmem:v44+s5+$0x0], $0xffff  }
0xf6: {  	v9 =	vld.idx.msk [tilespmem:v44+s7+$0x0], $0xffff;
	v57 =	vadd.f32 v11, v53  }
0xf7: {  	v58 =	vld.idx.msk [tilespmem:v42+s5+$0x0], $0xffff;
	v59 =	vadd.f32 v54, v10  }
0xf8: {  	v7 =	vld.idx.msk [tilespmem:v42+s7+$0x0], $0xffff;
	v22 =	vadd.f32 v55, v57  }
0xf9: {  	v60 =	vld.idx.msk [tilespmem:v43+s5+$0x0], $0xffff;
	v24 =	vadd.f32 v12, v59  }
0xfa: {  	v8 =	vld.idx.msk [tilespmem:v43+s7+$0x0], $0xffff;
	v22 =	vadd.f32 v56, v22  }
0xfb: {  	v61 =	vld.idx.msk [tilespmem:v41+s5+$0x0], $0xffff;
	v24 =	vadd.f32 v9, v24  }
0xfc: {  	v6 =	vld.idx.msk [tilespmem:v41+s7+$0x0], $0xffff;
	v22 =	vadd.f32 v58, v22  }
0xfd: {  	v27 =	vld.idx.msk [tilespmem:v40+s5+$0x0], $0xffff;
	v24 =	vadd.f32 v7, v24  }
0xfe: {  	v5 =	vld.idx.msk [tilespmem:v40+s7+$0x0], $0xffff;
	v18 =	vmul.f32 v53, v53;
	v11 =	vmul.f32 v11, v11;
	v22 =	vadd.f32 v60, v22  }
0xff: {  	v28 =	vld.idx.msk [tilespmem:v3+s5+$0x0], $0xffff;
	v10 =	vmul.f32 v10, v10;
	v19 =	vmul.f32 v54, v54;
	v24 =	vadd.f32 v8, v24  }
0x100: {  	v3 =	vld.idx.msk [tilespmem:v3+s7+$0x0], $0xffff;
	v20 =	vmul.f32 v55, v55;
	v11 =	vadd.f32 v11, v18;
	v62 =	vadd.f32 v61, v22  }
0x101: {  	v63 =	vld.idx.msk [tilespmem:v39+s5+$0x0], $0xffff;
	v12 =	vmul.f32 v12, v12;
	v10 =	vadd.f32 v19, v10;
	v29 =	vadd.f32 v6, v24  }
0x102: {  	v4 =	vld.idx.msk [tilespmem:v39+s7+$0x0], $0xffff;
	v30 =	vmul.f32 v56, v56;
	v11 =	vadd.f32 v20, v11;
	v18 =	vadd.f32 v27, v62  }
0x103: {  	v31 =	vld.idx.msk [tilespmem:v2+s5+$0x0], $0xffff;
	v10 =	vadd.f32 v12, v10;
	v9 =	vmul.f32 v9, v9;
	v32 =	vadd.f32 v5, v29  }
0x104: {  	v2 =	vld.idx.msk [tilespmem:v2+s7+$0x0], $0xffff;
	v33 =	vmul.f32 v58, v58;
	v11 =	vadd.f32 v30, v11;
	v18 =	vadd.f32 v28, v18  }
0x105: {  	v34 =	vld.idx.msk [tilespmem:v49+s5+$0x0], $0xffff;
	v7 =	vmul.f32 v7, v7;
	v9 =	vadd.f32 v9, v10;
	v12 =	vadd.f32 v3, v32  }
0x106: {  	v14 =	vld.idx.msk [tilespmem:v49+s7+$0x0], $0xffff;
	v35 =	vmul.f32 v60, v60;
	v11 =	vadd.f32 v33, v11;
	v18 =	vadd.f32 v63, v18  }
0x107: {  	v36 =	vld.idx.msk [tilespmem:v50+s5+$0x0], $0xffff;
	v8 =	vmul.f32 v8, v8;
	v7 =	vadd.f32 v7, v9;
	v12 =	vadd.f32 v4, v12  }
0x108: {  	v15 =	vld.idx.msk [tilespmem:v50+s7+$0x0], $0xffff;
	v37 =	vmul.f32 v61, v61;
	v11 =	vadd.f32 v35, v11;
	v18 =	vadd.f32 v31, v18  }
0x109: {  	v38 =	vld.idx.msk [tilespmem:v48+s5+$0x0], $0xffff;
	v7 =	vadd.f32 v8, v7;
	v6 =	vmul.f32 v6, v6;
	v12 =	vadd.f32 v2, v12  }
0x10a: {  	v13 =	vld.idx.msk [tilespmem:v48+s7+$0x0], $0xffff;
	v39 =	vmul.f32 v27, v27;
	v11 =	vadd.f32 v37, v11;
	v18 =	vadd.f32 v34, v18  }
0x10b: {  	v40 =	vld.idx.msk [tilespmem:v51+s5+$0x0], $0xffff;
	v5 =	vmul.f32 v5, v5;
	v6 =	vadd.f32 v6, v7;
	v12 =	vadd.f32 v14, v12  }
0x10c: {  	v16 =	vld.idx.msk [tilespmem:v51+s7+$0x0], $0xffff;
	v41 =	vmul.f32 v28, v28;
	v11 =	vadd.f32 v39, v11;
	v18 =	vadd.f32 v36, v18  }
0x10d: {  	v42 =	vld.idx.msk [tilespmem:v52+s5+$0x0], $0xffff;
	v3 =	vmul.f32 v3, v3;
	v5 =	vadd.f32 v5, v6;
	v12 =	vadd.f32 v15, v12  }
0x10e: {  	v17 =	vld.idx.msk [tilespmem:v52+s7+$0x0], $0xffff;
	v43 =	vmul.f32 v63, v63;
	v11 =	vadd.f32 v41, v11;
	v18 =	vadd.f32 v38, v18  }
0x10f: {  	v4 =	vmul.f32 v4, v4;
	v3 =	vadd.f32 v3, v5;
	v44 =	vadd.f32 v13, v12  }
0x110: {  	v45 =	vmul.f32 v31, v31;
	v11 =	vadd.f32 v43, v11;
	v18 =	vadd.f32 v40, v18  }
0x111: {  	v2 =	vmul.f32 v2, v2;
	v3 =	vadd.f32 v4, v3;
	v46 =	vadd.f32 v16, v44  }
0x112: {  	v47 =	vmul.f32 v34, v34;
	v48 =	vadd.f32 v45, v11;
	v49 =	vadd.f32 v42, v18  }
0x113: {  	v50 =	vmul.f32 v14, v14;
	v2 =	vadd.f32 v2, v3;
	v3 =	vadd.f32 v17, v46  }
0x114: {  	v52 =	vmul.f32 v36, v36;
	v51 =	vadd.f32 v47, v48;
	(erf) = vrcp.f32 v49  }
0x115: {  	v53 =	vmul.f32 v15, v15;
	v2 =	vadd.f32 v50, v2;
	(erf) = vrcp.f32 v3  }
0x116: {  	v54 =	vmul.f32 v38, v38;
	v3 =	vadd.f32 v52, v51  }
0x117: {  	v55 =	vmul.f32 v13, v13;
	v2 =	vadd.f32 v53, v2  }
0x118: {  	v56 =	vmul.f32 v40, v40;
	v3 =	vadd.f32 v54, v3  }
0x119: {  	v57 =	vmul.f32 v16, v16;
	v2 =	vadd.f32 v55, v2  }
0x11a: {  	v58 =	vmul.f32 v42, v42;
	v3 =	vadd.f32 v56, v3  }
0x11b: {  	v59 =	vmul.f32 v17, v17;
	v2 =	vadd.f32 v57, v2  }
0x11c: {  	s9 =	sor.u32 s13, s10;
	v3 =	vadd.f32 v58, v3  }
0x11d: {  	v61 =	vld [tilespmem:s9+$0x0];
	v2 =	vadd.f32 v59, v2;
	v60 =	vpop (erf)  }
0x11e: {  	v62 =	vpop (erf);
	v3 =	vmul.f32 v60, v3  }
0x11f: {  	v2 =	vmul.f32 v62, v2  }
0x120: {  	v3 =	vmul.f32 $1.000000010e-01, v3  }
0x121: {  	v63 =	vmul.f32 $1.000000010e-01, v2  }
0x122: {  	v2 =	vadd.f32 v3, v61  }
0x123: {  	s12 =	simm.s32 $0x0;
	[tilespmem:s9+$0x80] =	vst v63  }
.LBB2_6:
0x124: {  	s12 =	sadd.s32 $0x2, s12;
	[tilespmem:s9+$0x0] =	vst v2;
	s11 =	sadd.s32 $0x20, s11  }
0x125: {  	s9 =	sshll.u32 s12, $0x7;
	s13 =	sshll.u32 s12, $0x5;
	p0 =	slt.u32 s12, $0x3E  }
0x126: {  	s14 =	sand.u32 $0x3FFFFC00, s9;
	s13 =	sand.u32 $0x3FFFFF00, s13  }
0x127: {  	s21 =	sand.u32 $0x60, s11;
	s19 =	sadd.s32 $0x18B00, s14;
	s15 =	sadd.s32 $0x1AB00, s14  }
0x128: {  	s16 =	sadd.s32 $0x1AB80, s14;
	s30 =	sor.u32 s21, s19;
	s31 =	sor.u32 s21, s15  }
0x129: {  	s17 =	sadd.s32 $0x1AC00, s14;
	s18 =	sadd.s32 $0x1AC80, s14;
	s4 =	sor.u32 s21, s16;
	v2 =	vld [tilespmem:s30+$0x100]  }
0x12a: {  	s20 =	sadd.s32 $0x1AD00, s14;
	s3 =	sor.u32 s21, s17;
	s9 =	sor.u32 s21, s18;
	v3 =	vld [tilespmem:s30+$0x200]  }
0x12b: {  	s1 =	sadd.s32 $0x1AD80, s14;
	s2 =	sadd.s32 $0x1AE00, s14;
	s28 =	sor.u32 s21, s20;
	v4 =	vld [tilespmem:s30+$0x80]  }
0x12c: {  	s10 =	sadd.s32 $0x1AE80, s14;
	s26 =	sor.u32 s21, s1;
	s25 =	sor.u32 s21, s2;
	v5 =	vld [tilespmem:s30+$0x0]  }
0x12d: {  	s13 =	sadd.s32 $0x1D400, s13;
	s14 =	sor.u32 $0x10, s21;
	s29 =	sor.u32 s21, s10  }
0x12e: {  	s23 =	sor.u32 s14, s15;
	s22 =	sor.u32 s14, s16;
	s24 =	sor.u32 s14, s17;
	v6 =	vld [tilespmem:s30+$0x180]  }
0x12f: {  	s18 =	sor.u32 s14, s18;
	s17 =	sor.u32 s14, s20;
	s20 =	sor.u32 s14, s1;
	v7 =	vld [tilespmem:s30+$0x380]  }
0x130: {  	s16 =	sor.u32 s14, s2;
	s15 =	sor.u32 s14, s10;
	v8 =	vld [tilespmem:s30+$0x300]  }
0x131: {  	v9 =	vld [tilespmem:s30+$0x280]  }
0x132: {  	v10 =	vld.idx.msk [tilespmem:v2+s5+$0x0], $0xffff  }
0x133: {  	v11 =	vld.idx.msk [tilespmem:v4+s5+$0x0], $0xffff  }
0x134: {  	v4 =	vld.idx.msk [tilespmem:v4+s7+$0x0], $0xffff  }
0x135: {  	v12 =	vld.idx.msk [tilespmem:v3+s5+$0x0], $0xffff  }
0x136: {  	v13 =	vld.idx.msk [tilespmem:v6+s7+$0x0], $0xffff  }
0x137: {  	v6 =	vld.idx.msk [tilespmem:v6+s5+$0x0], $0xffff  }
0x138: {  	v14 =	vld [tilespmem:s31+$0x0]  }
0x139: {  	v15 =	vld.idx.msk [tilespmem:v9+s7+$0x0], $0xffff  }
0x13a: {  	v16 =	vmul.f32 v4, v4;
	v17 =	vld [tilespmem:s4+$0x0]  }
0x13b: {  	v9 =	vld.idx.msk [tilespmem:v9+s5+$0x0], $0xffff  }
0x13c: {  	v19 =	vmul.f32 v13, v13;
	v18 =	vld.idx.msk [tilespmem:v5+s5+$0x0], $0xffff  }
0x13d: {  	v20 =	vmul.f32 v6, v6;
	v21 =	vld [tilespmem:s3+$0x0]  }
0x13e: {  	v5 =	vld.idx.msk [tilespmem:v5+s7+$0x0], $0xffff  }
0x13f: {  	v2 =	vld.idx.msk [tilespmem:v2+s7+$0x0], $0xffff  }
0x140: {  	v22 =	vld.idx.msk [tilespmem:v14+s7+$0x0], $0xffff  }
0x141: {  	v23 =	vmul.f32 v9, v9;
	v14 =	vld.idx.msk [tilespmem:v14+s5+$0x0], $0xffff  }
0x142: {  	v24 =	vmul.f32 v18, v18;
	v18 =	vadd.f32 v11, v18;
	v25 =	vld.idx.msk [tilespmem:v17+s5+$0x0], $0xffff  }
0x143: {  	v11 =	vmul.f32 v11, v11;
	v17 =	vld.idx.msk [tilespmem:v17+s7+$0x0], $0xffff  }
0x144: {  	v26 =	vmul.f32 v5, v5;
	v4 =	vadd.f32 v4, v5;
	v5 =	vadd.f32 v10, v18;
	v3 =	vld.idx.msk [tilespmem:v3+s7+$0x0], $0xffff  }
0x145: {  	v11 =	vadd.f32 v11, v24;
	v10 =	vmul.f32 v10, v10;
	v18 =	vld [tilespmem:s9+$0x0]  }
0x146: {  	v4 =	vadd.f32 v2, v4;
	v5 =	vadd.f32 v6, v5;
	v24 =	vmul.f32 v22, v22;
	v6 =	vld.idx.msk [tilespmem:v8+s5+$0x0], $0xffff  }
0x147: {  	v16 =	vadd.f32 v16, v26;
	v10 =	vadd.f32 v10, v11;
	v2 =	vmul.f32 v2, v2;
	v11 =	vld.idx.msk [tilespmem:v7+s5+$0x0], $0xffff  }
0x148: {  	v4 =	vadd.f32 v13, v4;
	v5 =	vadd.f32 v12, v5;
	v13 =	vmul.f32 v25, v25;
	v8 =	vld.idx.msk [tilespmem:v8+s7+$0x0], $0xffff  }
0x149: {  	v2 =	vadd.f32 v2, v16;
	v10 =	vadd.f32 v20, v10;
	v12 =	vmul.f32 v12, v12;
	v16 =	vld [tilespmem:s28+$0x0]  }
0x14a: {  	v4 =	vadd.f32 v3, v4;
	v5 =	vadd.f32 v9, v5;
	v7 =	vld.idx.msk [tilespmem:v7+s7+$0x0], $0xffff  }
0x14b: {  	v2 =	vadd.f32 v19, v2;
	v9 =	vadd.f32 v12, v10;
	v3 =	vmul.f32 v3, v3;
	v10 =	vld [tilespmem:s29+$0x0]  }
0x14c: {  	v4 =	vadd.f32 v15, v4;
	v5 =	vadd.f32 v6, v5;
	v6 =	vmul.f32 v6, v6;
	v12 =	vld [tilespmem:s26+$0x0]  }
0x14d: {  	v2 =	vadd.f32 v3, v2;
	v3 =	vadd.f32 v23, v9;
	v9 =	vmul.f32 v15, v15;
	v15 =	vld [tilespmem:s25+$0x0]  }
0x14e: {  	v4 =	vadd.f32 v8, v4;
	v5 =	vadd.f32 v11, v5;
	v11 =	vmul.f32 v11, v11;
	v19 =	vld.idx.msk [tilespmem:v21+s5+$0x0], $0xffff  }
0x14f: {  	v2 =	vadd.f32 v9, v2;
	v3 =	vadd.f32 v6, v3;
	v6 =	vmul.f32 v8, v8;
	v8 =	vld.idx.msk [tilespmem:v18+s5+$0x0], $0xffff  }
0x150: {  	v4 =	vadd.f32 v7, v4;
	v7 =	vmul.f32 v7, v7;
	v5 =	vadd.f32 v14, v5;
	v9 =	vld.idx.msk [tilespmem:v21+s7+$0x0], $0xffff  }
0x151: {  	v2 =	vadd.f32 v6, v2;
	v3 =	vadd.f32 v11, v3;
	v6 =	vmul.f32 v14, v14;
	v11 =	vld.idx.msk [tilespmem:v16+s5+$0x0], $0xffff  }
0x152: {  	v4 =	vadd.f32 v22, v4;
	v5 =	vadd.f32 v25, v5;
	v14 =	vld.idx.msk [tilespmem:v18+s7+$0x0], $0xffff  }
0x153: {  	v2 =	vadd.f32 v7, v2;
	v3 =	vadd.f32 v6, v3;
	v6 =	vld.idx.msk [tilespmem:v16+s7+$0x0], $0xffff  }
0x154: {  	v4 =	vadd.f32 v17, v4;
	v5 =	vadd.f32 v19, v5;
	v7 =	vmul.f32 v19, v19;
	v16 =	vld.idx.msk [tilespmem:v12+s5+$0x0], $0xffff  }
0x155: {  	v2 =	vadd.f32 v24, v2;
	v3 =	vadd.f32 v13, v3;
	v13 =	vmul.f32 v17, v17;
	v17 =	vld.idx.msk [tilespmem:v15+s5+$0x0], $0xffff  }
0x156: {  	v4 =	vadd.f32 v9, v4;
	v9 =	vmul.f32 v9, v9;
	v5 =	vadd.f32 v8, v5;
	v12 =	vld.idx.msk [tilespmem:v12+s7+$0x0], $0xffff  }
0x157: {  	v2 =	vadd.f32 v13, v2;
	v3 =	vadd.f32 v7, v3;
	v7 =	vmul.f32 v8, v8;
	v8 =	vld.idx.msk [tilespmem:v10+s5+$0x0], $0xffff  }
0x158: {  	v4 =	vadd.f32 v14, v4;
	v5 =	vadd.f32 v11, v5;
	v11 =	vmul.f32 v11, v11;
	v13 =	vld.idx.msk [tilespmem:v15+s7+$0x0], $0xffff  }
0x159: {  	v2 =	vadd.f32 v9, v2;
	v3 =	vadd.f32 v7, v3;
	v7 =	vmul.f32 v14, v14  }
0x15a: {  	v4 =	vadd.f32 v6, v4;
	v5 =	vadd.f32 v16, v5;
	v9 =	vmul.f32 v16, v16;
	v10 =	vld.idx.msk [tilespmem:v10+s7+$0x0], $0xffff  }
0x15b: {  	v2 =	vadd.f32 v7, v2;
	v3 =	vadd.f32 v11, v3;
	v6 =	vmul.f32 v6, v6  }
0x15c: {  	v7 =	vmul.f32 v17, v17;
	v4 =	vadd.f32 v12, v4;
	v5 =	vadd.f32 v17, v5  }
0x15d: {  	v2 =	vadd.f32 v6, v2;
	v3 =	vadd.f32 v9, v3;
	v6 =	vmul.f32 v12, v12  }
0x15e: {  	v4 =	vadd.f32 v13, v4;
	v5 =	vadd.f32 v8, v5  }
0x15f: {  	v2 =	vadd.f32 v6, v2;
	v3 =	vadd.f32 v7, v3  }
0x160: {  	v4 =	vadd.f32 v10, v4;
	(erf) = vrcp.f32 v5;
	_ =	sdelay $0x1  }
0x161: {  	(erf) = vrcp.f32 v4;
	_ =	sdelay $0x3  }
0x162: {  	v5 =	vmul.f32 v8, v8;
	v4 =	vmul.f32 v13, v13;
	_ =	sdelay $0x1  }
0x163: {  	s1 =	sor.u32 s21, s13;
	v7 =	vmul.f32 v10, v10;
	v3 =	vadd.f32 v5, v3;
	v2 =	vadd.f32 v4, v2  }
0x164: {  	v5 =	vld [tilespmem:s1+$0x0];
	v6 =	vpop (erf)  }
0x165: {  	v2 =	vadd.f32 v7, v2;
	v3 =	vmul.f32 v6, v3  }
0x166: {  	v4 =	vpop (erf)  }
0x167: {  	v3 =	vmul.f32 $1.000000010e-01, v3;
	v2 =	vmul.f32 v4, v2;
	_ =	sdelay $0x1  }
0x168: {  	v3 =	vadd.f32 v3, v5;
	v2 =	vmul.f32 $1.000000010e-01, v2;
	_ =	sdelay $0x1  }
0x169: {  	[tilespmem:s1+$0x0] =	vst v3  }
0x16a: {  	[tilespmem:s1+$0x80] =	vst v2;
	s1 =	sor.u32 s14, s19  }
0x16b: {  	v2 =	vld [tilespmem:s1+$0x380]  }
0x16c: {  	v3 =	vld [tilespmem:s24+$0x0]  }
0x16d: {  	v4 =	vld [tilespmem:s23+$0x0]  }
0x16e: {  	v5 =	vld [tilespmem:s22+$0x0]  }
0x16f: {  	v6 =	vld [tilespmem:s1+$0x300]  }
0x170: {  	v7 =	vld [tilespmem:s1+$0x200]  }
0x171: {  	v8 =	vld [tilespmem:s1+$0x280]  }
0x172: {  	v9 =	vld [tilespmem:s1+$0x180]  }
0x173: {  	v10 =	vld [tilespmem:s1+$0x100]  }
0x174: {  	v11 =	vld [tilespmem:s1+$0x80]  }
0x175: {  	v12 =	vld [tilespmem:s1+$0x0]  }
0x176: {  	v13 =	vld [tilespmem:s20+$0x0]  }
0x177: {  	v14 =	vld.idx.msk [tilespmem:v4+s5+$0x0], $0xffff  }
0x178: {  	v15 =	vld.idx.msk [tilespmem:v7+s7+$0x0], $0xffff  }
0x179: {  	v16 =	vld.idx.msk [tilespmem:v8+s5+$0x0], $0xffff  }
0x17a: {  	v17 =	vld.idx.msk [tilespmem:v9+s7+$0x0], $0xffff  }
0x17b: {  	v8 =	vld.idx.msk [tilespmem:v8+s7+$0x0], $0xffff  }
0x17c: {  	v18 =	vld.idx.msk [tilespmem:v10+s5+$0x0], $0xffff  }
0x17d: {  	v19 =	vld.idx.msk [tilespmem:v12+s5+$0x0], $0xffff  }
0x17e: {  	v20 =	vld.idx.msk [tilespmem:v2+s5+$0x0], $0xffff  }
0x17f: {  	v21 =	vld.idx.msk [tilespmem:v11+s7+$0x0], $0xffff  }
0x180: {  	v11 =	vld.idx.msk [tilespmem:v11+s5+$0x0], $0xffff  }
0x181: {  	v12 =	vld.idx.msk [tilespmem:v12+s7+$0x0], $0xffff  }
0x182: {  	v10 =	vld.idx.msk [tilespmem:v10+s7+$0x0], $0xffff  }
0x183: {  	v22 =	vmul.f32 v19, v19;
	v7 =	vld.idx.msk [tilespmem:v7+s5+$0x0], $0xffff  }
0x184: {  	v9 =	vld.idx.msk [tilespmem:v9+s5+$0x0], $0xffff  }
0x185: {  	v23 =	vmul.f32 v8, v8;
	v24 =	vld [tilespmem:s18+$0x0]  }
0x186: {  	v25 =	vmul.f32 v18, v18;
	v19 =	vadd.f32 v11, v19;
	v11 =	vmul.f32 v11, v11;
	v26 =	vld.idx.msk [tilespmem:v6+s5+$0x0], $0xffff  }
0x187: {  	v27 =	vmul.f32 v12, v12;
	v12 =	vadd.f32 v21, v12;
	v21 =	vmul.f32 v21, v21;
	v28 =	vld.idx.msk [tilespmem:v5+s5+$0x0], $0xffff  }
0x188: {  	v29 =	vmul.f32 v20, v20;
	v18 =	vadd.f32 v18, v19;
	v19 =	vmul.f32 v10, v10;
	v2 =	vld.idx.msk [tilespmem:v2+s7+$0x0], $0xffff  }
0x189: {  	v11 =	vadd.f32 v11, v22;
	v10 =	vadd.f32 v10, v12;
	v12 =	vmul.f32 v15, v15;
	v22 =	vld.idx.msk [tilespmem:v3+s5+$0x0], $0xffff  }
0x18a: {  	v21 =	vadd.f32 v21, v27;
	v27 =	vmul.f32 v14, v14;
	v18 =	vadd.f32 v9, v18;
	v4 =	vld.idx.msk [tilespmem:v4+s7+$0x0], $0xffff  }
0x18b: {  	v11 =	vadd.f32 v25, v11;
	v10 =	vadd.f32 v17, v10;
	v6 =	vld.idx.msk [tilespmem:v6+s7+$0x0], $0xffff  }
0x18c: {  	v9 =	vmul.f32 v9, v9;
	v19 =	vadd.f32 v19, v21;
	v18 =	vadd.f32 v7, v18;
	v5 =	vld.idx.msk [tilespmem:v5+s7+$0x0], $0xffff  }
0x18d: {  	v17 =	vmul.f32 v17, v17;
	v10 =	vadd.f32 v15, v10;
	v15 =	vmul.f32 v26, v26;
	v21 =	vld [tilespmem:s17+$0x0]  }
0x18e: {  	v7 =	vmul.f32 v7, v7;
	v25 =	vmul.f32 v28, v28;
	v18 =	vadd.f32 v16, v18;
	v3 =	vld.idx.msk [tilespmem:v3+s7+$0x0], $0xffff  }
0x18f: {  	v17 =	vadd.f32 v17, v19;
	v8 =	vadd.f32 v8, v10;
	v10 =	vmul.f32 v2, v2;
	v19 =	vld.idx.msk [tilespmem:v24+s7+$0x0], $0xffff  }
0x190: {  	v9 =	vadd.f32 v9, v11;
	v11 =	vadd.f32 v26, v18;
	v18 =	vmul.f32 v22, v22;
	v24 =	vld.idx.msk [tilespmem:v24+s5+$0x0], $0xffff  }
0x191: {  	v12 =	vadd.f32 v12, v17;
	v17 =	vmul.f32 v4, v4;
	v8 =	vadd.f32 v6, v8  }
0x192: {  	v7 =	vadd.f32 v7, v9;
	v9 =	vmul.f32 v16, v16;
	v11 =	vadd.f32 v20, v11;
	v16 =	vld [tilespmem:s16+$0x0]  }
0x193: {  	v12 =	vadd.f32 v23, v12;
	v2 =	vadd.f32 v2, v8;
	v8 =	vmul.f32 v5, v5  }
0x194: {  	v7 =	vadd.f32 v9, v7;
	v6 =	vmul.f32 v6, v6;
	v9 =	vadd.f32 v14, v11;
	v11 =	vld [tilespmem:s15+$0x0]  }
0x195: {  	v2 =	vadd.f32 v4, v2;
	v4 =	vmul.f32 v3, v3  }
0x196: {  	v7 =	vadd.f32 v15, v7;
	v9 =	vadd.f32 v28, v9;
	v14 =	vmul.f32 v24, v24;
	v15 =	vld.idx.msk [tilespmem:v21+s5+$0x0], $0xffff  }
0x197: {  	v6 =	vadd.f32 v6, v12;
	v2 =	vadd.f32 v5, v2;
	v5 =	vmul.f32 v19, v19;
	v12 =	vld.idx.msk [tilespmem:v21+s7+$0x0], $0xffff  }
0x198: {  	v7 =	vadd.f32 v29, v7;
	v9 =	vadd.f32 v22, v9;
	v20 =	vld.idx.msk [tilespmem:v13+s5+$0x0], $0xffff  }
0x199: {  	v6 =	vadd.f32 v10, v6;
	v2 =	vadd.f32 v3, v2;
	v3 =	vld.idx.msk [tilespmem:v13+s7+$0x0], $0xffff  }
0x19a: {  	v7 =	vadd.f32 v27, v7;
	v9 =	vadd.f32 v24, v9;
	v10 =	vld.idx.msk [tilespmem:v16+s5+$0x0], $0xffff  }
0x19b: {  	v6 =	vadd.f32 v17, v6;
	v2 =	vadd.f32 v19, v2;
	v13 =	vld.idx.msk [tilespmem:v16+s7+$0x0], $0xffff  }
0x19c: {  	v7 =	vadd.f32 v25, v7;
	v9 =	vadd.f32 v15, v9;
	v16 =	vld.idx.msk [tilespmem:v11+s5+$0x0], $0xffff  }
0x19d: {  	v6 =	vadd.f32 v8, v6;
	v2 =	vadd.f32 v12, v2;
	v8 =	vld.idx.msk [tilespmem:v11+s7+$0x0], $0xffff  }
0x19e: {  	v7 =	vadd.f32 v18, v7;
	v9 =	vadd.f32 v20, v9  }
0x19f: {  	v4 =	vadd.f32 v4, v6;
	v2 =	vadd.f32 v3, v2  }
0x1a0: {  	v6 =	vadd.f32 v14, v7;
	v7 =	vmul.f32 v15, v15;
	v9 =	vadd.f32 v10, v9  }
0x1a1: {  	v4 =	vadd.f32 v5, v4;
	v5 =	vmul.f32 v12, v12;
	v2 =	vadd.f32 v13, v2  }
0x1a2: {  	v6 =	vadd.f32 v7, v6;
	v7 =	vmul.f32 v20, v20;
	v9 =	vadd.f32 v16, v9  }
0x1a3: {  	v4 =	vadd.f32 v5, v4;
	v3 =	vmul.f32 v3, v3;
	v2 =	vadd.f32 v8, v2  }
0x1a4: {  	v5 =	vadd.f32 v7, v6;
	v6 =	vmul.f32 v10, v10;
	(erf) = vrcp.f32 v9  }
0x1a5: {  	v3 =	vadd.f32 v3, v4;
	v4 =	vmul.f32 v13, v13;
	(erf) = vrcp.f32 v2  }
0x1a6: {  	v2 =	vadd.f32 v6, v5  }
0x1a7: {  	v3 =	vadd.f32 v4, v3;
	_ =	sdelay $0x2  }
0x1a8: {  	v4 =	vmul.f32 v16, v16  }
0x1a9: {  	v6 =	vmul.f32 v8, v8  }
0x1aa: {  	s9 =	sor.u32 s14, s13;
	v2 =	vadd.f32 v4, v2  }
0x1ab: {  	v3 =	vadd.f32 v6, v3;
	v4 =	vld [tilespmem:s9+$0x0];
	v5 =	vpop (erf)  }
0x1ac: {  	v2 =	vmul.f32 v5, v2;
	v5 =	vpop (erf)  }
.Ltmp2:
0x1ad: {  	v3 =	vmul.f32 v5, v3;
	(pc) =	sbr.rel @p0 .LBB2_6-.Ltmp2, $4  }
0x1ae: {  	v2 =	vmul.f32 $1.000000010e-01, v2  }
0x1af: {  	v3 =	vmul.f32 $1.000000010e-01, v3  }
0x1b0: {  	v2 =	vadd.f32 v2, v4  }
0x1b1: {  	[tilespmem:s9+$0x80] =	vst v3  }
0x1b2: {  	[tilespmem:s9+$0x0] =	vst v2;
	s14 =	simm.s32 $0x2  }
0x1b3: {  	s9 =	simm.s32 $0xFFFFFFFC;
	p0 =	por $0x0, $0x0;
	_ =	swait.ge [sflag:s14], $0x18700  }
0x1b4: {  	s11 =	simm.s32 $0x0;
	s12 =	simm.s32 $0x0;
	[sflag:s14] =	ssyncset.done $0x0  }
0x1b5: {  	s13 =	simm.s32 $0x0;
	s19 =	simm.s32 $0x4;
	[sflag:s14] =	ssyncadd.s32 $0xFFFE7900  }
.LBB2_8:
0x1b6: {  	v2 =	vld [tilespmem:s11+$0x0];
	_ =	sdelay $0x4  }
0x1b7: {  	s1 =	simm.s32 $0x1  }
0x1b8: {  	s1 =	simm.s32 @!p0 $0x0  }
0x1b9: {  	s1 =	sshll.u32 s1, $0x6  }
0x1ba: {  	s1 =	sadd.s32 s1, s13;
	v2 =	vld.idx.msk [tilespmem:v2+s0+$0x0], $0xffff  }
0x1bb: {  	s2 =	sor.u32 $0x80, s1  }
0x1bc: {  	v3 =	vld [tilespmem:s2+$0x1D400];
	_ =	sdelay $0x2  }
0x1bd: {  	v2 =	vmul.f32 $8.999999760e-01, v2;
	_ =	sdelay $0x1  }
0x1be: {  	v2 =	vadd.f32 v2, v3;
	_ =	sdelay $0x1  }
0x1bf: {  	s30 =	sand.u32 $0x3C0, s12;
	[tilespmem:s2+$0x1D400] =	vst v2  }
0x1c0: {  	v2 =	vld [tilespmem:s30+$0x10];
	_ =	sdelay $0x7  }
0x1c1: {  	s3 =	sadd.s32 $0x10, s1;
	v2 =	vld.idx.msk [tilespmem:v2+s0+$0x0], $0xffff  }
0x1c2: {  	s3 =	sor.u32 $0x80, s3  }
0x1c3: {  	v3 =	vld [tilespmem:s3+$0x1D400];
	_ =	sdelay $0x2  }
0x1c4: {  	v2 =	vmul.f32 $8.999999760e-01, v2;
	_ =	sdelay $0x1  }
0x1c5: {  	v2 =	vadd.f32 v2, v3;
	_ =	sdelay $0x1  }
0x1c6: {  	[tilespmem:s3+$0x1D400] =	vst v2  }
0x1c7: {  	v2 =	vld [tilespmem:s30+$0x20];
	_ =	sdelay $0x7  }
0x1c8: {  	s31 =	sadd.s32 $0x20, s1;
	v2 =	vld.idx.msk [tilespmem:v2+s0+$0x0], $0xffff  }
0x1c9: {  	s3 =	sor.u32 $0x80, s31  }
0x1ca: {  	v3 =	vld [tilespmem:s3+$0x1D400];
	_ =	sdelay $0x2  }
0x1cb: {  	v2 =	vmul.f32 $8.999999760e-01, v2;
	_ =	sdelay $0x1  }
0x1cc: {  	v2 =	vadd.f32 v2, v3;
	_ =	sdelay $0x1  }
0x1cd: {  	[tilespmem:s3+$0x1D400] =	vst v2  }
0x1ce: {  	v2 =	vld [tilespmem:s30+$0x30];
	_ =	sdelay $0x7  }
0x1cf: {  	s1 =	sadd.s32 $0x30, s1;
	v2 =	vld.idx.msk [tilespmem:v2+s0+$0x0], $0xffff  }
0x1d0: {  	s1 =	sor.u32 $0x80, s1  }
0x1d1: {  	v3 =	vld [tilespmem:s1+$0x1D400]  }
0x1d2: {  	s9 =	sadd.s32 $0x4, s9  }
0x1d3: {  	p1 =	slt.u32 s9, $0x3C  }
.Ltmp3:
0x1d4: {  	v2 =	vmul.f32 $8.999999760e-01, v2;
	(pc) =	sbr.rel @p1 .LBB2_8-.Ltmp3, $4  }
0x1d5: {  	_ = 	snop  }
0x1d6: {  	v2 =	vadd.f32 v2, v3  }
0x1d7: {  	s12 =	sadd.s32 $0x40, s12  }
0x1d8: {  	s11 =	sadd.s32 $0x40, s11;
	p0 =	por !p0, !p0;
	s13 =	sadd.s32 $0x80, s13;
	[tilespmem:s1+$0x1D400] =	vst v2  }
0x1d9: {  	s1 =	rddreg [dreg:$0xc];
	s2 =	simm.s32 $0x100;
	s3 =	simm.s32 $0x1D400  }
0x1da: {  	[hbm4b:s1+s2] =	stream.strided.scatter [tilespmem:s3], [sflag:$0x4], $0x800, s0, s2, $0x38;
	[tilespmem:$0x1E000] =	vst v63  }
0x1db: {  	_ =	swait.ge [sflag:s19], $0x800  }
0x1dc: {  	s30 =	rddreg [dreg:$0x1c]  }
0x1dd: {  	s31 =	rddreg [dreg:$0xd];
	s2 =	sadd.s32 $0x1, s30  }
0x1de: {  	p0 =	sne.s32 s2, s31  }
.Ltmp4:
0x1df: {  	_ = 	snop;
	(pc) =	sbr.rel @p0 .LBB2_1-.Ltmp4, $3  }
0x1e0: {  	_ =	sdelay $0x1  }
0x1e1: {  	s4 =	simm.s32 $0x80;
	[sflag:s19] =	ssyncset.done $0x0  }
0x1e2: {  	s10 =	simm.s32 $0x1;
	s3 =	simm.s32 $0x1CB00;
	[sflag:s19] =	ssyncadd.s32 $0xFFFFF800  }
0x1e3: {  	_ =	sfence.sel $0x180000  }
0x1e4: {  	[bflag:$0x0] =	sbarrier.arrive $0xFFFF  }
0x1e5: {  	_ =	strace $0x90000047  }
0x1e6: {  	s0 =	stileid.u32;
	[bflag:$0x2] =	sbarrier.arrive $0xFFFF  }
0x1e7: {  	p0 =	sne.s32 s0, $0x0;
	s0 =	rddreg [dreg:$0x6]  }
0x1e8: {  	s0 =	sadd.s32 @!p0 $0x100000, s0  }
0x1e9: {  	[sflag:s0] =	ssyncadd.tile.s32 @!p0 $0x1;
	_ =	shalt  }
.Lfunc_end2:
_tile_overlayer_lowered:
.L_overlay_start_2:
0x1ea: {  	(tag) =	ssettag $0x2  }
0x1eb: {  	s0 =	rddreg [dreg:$0x0];
	s2 =	stileid.u32  }
0x1ec: {  	s1 =	rddreg [dreg:$0x1];
	p0 =	sne.s32 s2, $0x0  }
0x1ed: {  	s3 =	rddreg [dreg:$0x2];
	[bflag:$0x3] =	sbarrier.arrive $0xFFFF;
	s2 =	simm.s32 @!p0 $0x1C04  }
0x1ee: {  	[timem:s3], [sflag:s2] =	dma.local @!p0 [hbm:s0], s1  }
0x1ef: {  	s0 =	simm.s32 @!p0 $0x4  }
0x1f0: {  	_ =	swait.ge @!p0 [sflag:s0], s1  }
0x1f1: {  	s1 =	ssub.s32 @!p0 $0x0, s1;
	[sflag:s0] =	ssyncset.done @!p0 $0x0  }
0x1f2: {  	[sflag:s0] =	ssyncadd.s32 @!p0 s1  }
0x1f3: {  	[bflag:$0x3] =	sbarrier.arrive $0xFFFF  }
0x1f4: {  	_ =	shalt  }

</sc_bundles>
